<compile_context>
chip_gen: v7x
topology: tpu7x:2x2x1
jax: 0.10.2.dev20260603
libtpu: 0.0.44.dev20260713+nightly
codegen_flags: <defaults>
</compile_context>

<pallas_src>
import functools

import jax
import jax.numpy as jnp
from jax import lax
from jax.experimental import pallas as pl
from jax.experimental.pallas import tpu as pltpu
from jax.experimental.pallas import tpu_sc as plsc

T_ROWS = 1000
D_IN = 128
D_OUT = 512
B = 16384

_info = plsc.get_sparse_core_info()
NC, NS = _info.num_cores, _info.num_subcores
NW = NC * NS
BPW = B // NW
C = 64
NCHUNK = BPW // C
NBUF = 3


def _table_body(pe_ref, w1_ref, b1_ref, w2_ref, b2_ref, out_ref):
    h = jnp.dot(pe_ref[...], w1_ref[...], preferred_element_type=jnp.float32)
    h = h + b1_ref[...]
    h = h * jax.nn.sigmoid(h)
    out_ref[...] = (
        jnp.dot(h, w2_ref[...], preferred_element_type=jnp.float32) + b2_ref[...]
    )


def _compute_table(pe, W1, b1, W2, b2):
    return pl.pallas_call(
        _table_body,
        out_shape=jax.ShapeDtypeStruct((T_ROWS, D_OUT), jnp.float32),
    )(pe, W1, b1.reshape(1, D_OUT), W2, b2.reshape(1, D_OUT))


_mesh = plsc.VectorSubcoreMesh(core_axis_name="c", subcore_axis_name="s")


@functools.partial(
    pl.kernel,
    mesh=_mesh,
    out_type=jax.ShapeDtypeStruct((B, D_OUT), jnp.float32),
    scratch_types=[
        pltpu.VMEM((BPW,), jnp.int32),
        *[pltpu.VMEM((C, D_OUT), jnp.float32) for _ in range(NBUF)],
        *[pltpu.SemaphoreType.DMA for _ in range(2 * NBUF)],
    ],
)
def _sc_gather(table_hbm, idx_hbm, out_hbm, idx_v, *rest):
    bufs = rest[:NBUF]
    gsems = rest[NBUF:2 * NBUF]
    ssems = rest[2 * NBUF:]
    wid = lax.axis_index("s") * NC + lax.axis_index("c")
    base = wid * BPW
    pltpu.sync_copy(idx_hbm.at[pl.ds(base, C)], idx_v.at[pl.ds(0, C)])
    la = NBUF - 1
    g = [None] * NCHUNK
    s = [None] * NCHUNK
    g[0] = pltpu.async_copy(
        table_hbm.at[idx_v.at[pl.ds(0, C)]], bufs[0], gsems[0]
    )
    pltpu.sync_copy(
        idx_hbm.at[pl.ds(base + C, BPW - C)], idx_v.at[pl.ds(C, BPW - C)]
    )
    for c in range(1, min(la, NCHUNK)):
        g[c] = pltpu.async_copy(
            table_hbm.at[idx_v.at[pl.ds(c * C, C)]], bufs[c % NBUF], gsems[c % NBUF]
        )
    for c in range(NCHUNK):
        g[c].wait()
        n = c + la
        if n < NCHUNK:
            if n - NBUF >= 0:
                s[n - NBUF].wait()
            g[n] = pltpu.async_copy(
                table_hbm.at[idx_v.at[pl.ds(n * C, C)]],
                bufs[n % NBUF],
                gsems[n % NBUF],
            )
        s[c] = pltpu.async_copy(
            bufs[c % NBUF], out_hbm.at[pl.ds(base + c * C, C)], ssems[c % NBUF]
        )
    for c in range(max(0, NCHUNK - NBUF), NCHUNK):
        s[c].wait()


def kernel(x, pe, W1, b1, W2, b2):
    table = _compute_table(pe, W1, b1, W2, b2)
    return _sc_gather(table, x.astype(jnp.int32))

# --- scband reference (transcript-rebuilt; emitter-appended) ---
"""Pipeline reference for scband-time-embedding-24885040513076 (READ-ONLY COPY).

The authoritative reference and input builder live on the scoring server;
editing this copy changes nothing except your own understanding.
"""

import jax, jax.numpy as jnp
import numpy as np
import math

T = 1000
HIDDEN = 128
OUT = 512
B = 16384

def _build_pe(T, H):
    position = jnp.arange(T, dtype=jnp.float32)[:, None]
    div_term = jnp.exp(jnp.arange(0, H, 2, dtype=jnp.float32) * (-math.log(1000.0) / H))
    pe = jnp.zeros((T, H), dtype=jnp.float32)
    pe = pe.at[:, 0::2].set(jnp.sin(position * div_term))
    pe = pe.at[:, 1::2].set(jnp.cos(position * div_term))
    return pe

def setup_inputs(seed: int = 0) -> dict:
    key = jax.random.key(seed)
    k1, k2, k3, k4, k5 = jax.random.split(key, 5)
    x = jax.random.randint(k1, (B,), 0, T, dtype=jnp.int64 if jax.config.jax_enable_x64 else jnp.int32)
    pe = _build_pe(T, HIDDEN)
    W1 = jax.random.normal(k2, (HIDDEN, OUT), dtype=jnp.float32) * (1.0 / math.sqrt(HIDDEN))
    b1 = jnp.zeros((OUT,), dtype=jnp.float32)
    W2 = jax.random.normal(k3, (OUT, OUT), dtype=jnp.float32) * (1.0 / math.sqrt(OUT))
    b2 = jnp.zeros((OUT,), dtype=jnp.float32)
    return {"x": x, "pe": pe, "W1": W1, "b1": b1, "W2": W2, "b2": b2}

def reference(x, pe, W1, b1, W2, b2):
    # PositionalEmbedding: gather rows of pe by timestep index
    pos_emb = jnp.take(pe, x, axis=0).reshape(x.shape[0], HIDDEN)
    # Linear -> SiLU -> Linear
    h = pos_emb @ W1 + b1
    h = h * jax.nn.sigmoid(h)
    out = h @ W2 + b2
    return out

if __name__ == "__main__":
    import jax
    _d = setup_inputs()
    print(jax.jit(kernel)(*tuple(_d.values())))

</pallas_src>

<mosaic_0001>
#map = affine_map<(d0, d1) -> (0, 0)>
#map1 = affine_map<(d0, d1) -> (0)>
module attributes {stable_mosaic.version = 14 : i64} {
  func.func @_sc_gather(%arg0: i32, %arg1: i32, %arg2: memref<1000x512xf32, #tpu.memory_space<hbm>>, %arg3: memref<16384xi32, #tpu.memory_space<hbm>>, %arg4: memref<16384x512xf32, #tpu.memory_space<hbm>>, %arg5: memref<512xi32, #tpu.memory_space<vmem>>, %arg6: memref<64x512xf32, #tpu.memory_space<vmem>>, %arg7: memref<64x512xf32, #tpu.memory_space<vmem>>, %arg8: memref<64x512xf32, #tpu.memory_space<vmem>>, %arg9: memref<!tpu.dma_semaphore, #tpu.memory_space<semaphore_mem>>, %arg10: memref<!tpu.dma_semaphore, #tpu.memory_space<semaphore_mem>>, %arg11: memref<!tpu.dma_semaphore, #tpu.memory_space<semaphore_mem>>, %arg12: memref<!tpu.dma_semaphore, #tpu.memory_space<semaphore_mem>>, %arg13: memref<!tpu.dma_semaphore, #tpu.memory_space<semaphore_mem>>, %arg14: memref<!tpu.dma_semaphore, #tpu.memory_space<semaphore_mem>>) attributes {dimension_semantics = [#tpu.dimension_semantics<core_parallel>, #tpu.dimension_semantics<subcore_parallel>], iteration_bounds = array<i64: 2, 16>, scalar_prefetch = 0 : i64, scratch_operands = 10 : i64, tpu.core_type = #tpu.core_type<sc_vector_subcore>, window_params = [{transform_indices = #map}, {transform_indices = #map1}, {transform_indices = #map}]} {
    %mul3A = arith.constant 2 : i32
    %mul3A_0 = arith.muli %arg1, %mul3A : i32
    %add3A = arith.addi %mul3A_0, %arg0 : i32
    %mul3A_1 = arith.constant 512 : i32
    %mul3A_2 = arith.muli %add3A, %mul3A_1 : i32
    "tpu.region"() ({
      %run_scoped3A = tpu.sem_alloc : memref<!tpu.dma_semaphore, #tpu.memory_space<semaphore_mem>>
      %dma_start3A_163 = arith.constant 0 : i32
      %dma_start3A_164 = tpu.memref_slice %arg5[%dma_start3A_163] : memref<512xi32, #tpu.memory_space<vmem>> -> memref<64xi32, #tpu.memory_space<vmem>>
      %dma_start3A_165 = tpu.memref_slice %arg3[%mul3A_2] : memref<16384xi32, #tpu.memory_space<hbm>> -> memref<64xi32, #tpu.memory_space<hbm>>
      %dma_start3A_166 = arith.constant 0 : i32
      %dma_start3A_167 = tpu.memref_slice %arg5[%dma_start3A_166] : memref<512xi32, #tpu.memory_space<vmem>> -> memref<64xi32, #tpu.memory_space<vmem>>
      %dma_start3A_168 = tpu.memref_slice %arg3[%mul3A_2] : memref<16384xi32, #tpu.memory_space<hbm>> -> memref<64xi32, #tpu.memory_space<hbm>>
      tpu.enqueue_dma source(%dma_start3A_168 : memref<64xi32, #tpu.memory_space<hbm>>) target(%dma_start3A_167 : memref<64xi32, #tpu.memory_space<vmem>>) target_semaphore(%run_scoped3A : memref<!tpu.dma_semaphore, #tpu.memory_space<semaphore_mem>>)
      %dma_wait3A_169 = arith.constant 0 : i32
      %dma_wait3A_170 = tpu.memref_slice %arg5[%dma_wait3A_169] : memref<512xi32, #tpu.memory_space<vmem>> -> memref<64xi32, #tpu.memory_space<vmem>>
      %dma_wait3A_171 = tpu.memref_slice %arg3[%mul3A_2] : memref<16384xi32, #tpu.memory_space<hbm>> -> memref<64xi32, #tpu.memory_space<hbm>>
      %dma_wait3A_172 = arith.constant 0 : i32
      %dma_wait3A_173 = tpu.memref_slice %arg5[%dma_wait3A_172] : memref<512xi32, #tpu.memory_space<vmem>> -> memref<64xi32, #tpu.memory_space<vmem>>
      %dma_wait3A_174 = tpu.memref_slice %arg3[%mul3A_2] : memref<16384xi32, #tpu.memory_space<hbm>> -> memref<64xi32, #tpu.memory_space<hbm>>
      tpu.wait_dma2 semaphore(%run_scoped3A : memref<!tpu.dma_semaphore, #tpu.memory_space<semaphore_mem>>) src(%dma_wait3A_174 : memref<64xi32, #tpu.memory_space<hbm>>) dst(%dma_wait3A_173 : memref<64xi32, #tpu.memory_space<vmem>>)
      tpu.yield
    }) : () -> ()
    %dma_start3A = arith.constant 0 : i32
    %dma_start3A_3 = tpu.memref_slice %arg5[%dma_start3A] : memref<512xi32, #tpu.memory_space<vmem>> -> memref<64xi32, #tpu.memory_space<vmem>>
    %dma_start3A_4 = arith.constant 0 : i32
    %dma_start3A_5 = arith.constant 0 : i32
    %dma_start3A_6 = tpu.memref_slice %arg2[%dma_start3A_4, %dma_start3A_5] : memref<1000x512xf32, #tpu.memory_space<hbm>> -> memref<1000x512xf32, #tpu.memory_space<hbm>>
    tpu.enqueue_indirect_dma source(%dma_start3A_6 : memref<1000x512xf32, #tpu.memory_space<hbm>>) target(%arg6 : memref<64x512xf32, #tpu.memory_space<vmem>>) offsets(%dma_start3A_3 : memref<64xi32, #tpu.memory_space<vmem>>) semaphore(%arg9 : memref<!tpu.dma_semaphore, #tpu.memory_space<semaphore_mem>>)
    %add3A_7 = arith.constant 64 : i32
    %add3A_8 = arith.addi %mul3A_2, %add3A_7 : i32
    "tpu.region"() ({
      %run_scoped3A = tpu.sem_alloc : memref<!tpu.dma_semaphore, #tpu.memory_space<semaphore_mem>>
      %dma_start3A_163 = arith.constant 64 : i32
      %dma_start3A_164 = tpu.memref_slice %arg5[%dma_start3A_163] : memref<512xi32, #tpu.memory_space<vmem>> -> memref<448xi32, #tpu.memory_space<vmem>>
      %dma_start3A_165 = tpu.memref_slice %arg3[%add3A_8] : memref<16384xi32, #tpu.memory_space<hbm>> -> memref<448xi32, #tpu.memory_space<hbm>>
      %dma_start3A_166 = arith.constant 64 : i32
      %dma_start3A_167 = tpu.memref_slice %arg5[%dma_start3A_166] : memref<512xi32, #tpu.memory_space<vmem>> -> memref<448xi32, #tpu.memory_space<vmem>>
      %dma_start3A_168 = tpu.memref_slice %arg3[%add3A_8] : memref<16384xi32, #tpu.memory_space<hbm>> -> memref<448xi32, #tpu.memory_space<hbm>>
      tpu.enqueue_dma source(%dma_start3A_168 : memref<448xi32, #tpu.memory_space<hbm>>) target(%dma_start3A_167 : memref<448xi32, #tpu.memory_space<vmem>>) target_semaphore(%run_scoped3A : memref<!tpu.dma_semaphore, #tpu.memory_space<semaphore_mem>>)
      %dma_wait3A_169 = arith.constant 64 : i32
      %dma_wait3A_170 = tpu.memref_slice %arg5[%dma_wait3A_169] : memref<512xi32, #tpu.memory_space<vmem>> -> memref<448xi32, #tpu.memory_space<vmem>>
      %dma_wait3A_171 = tpu.memref_slice %arg3[%add3A_8] : memref<16384xi32, #tpu.memory_space<hbm>> -> memref<448xi32, #tpu.memory_space<hbm>>
      %dma_wait3A_172 = arith.constant 64 : i32
      %dma_wait3A_173 = tpu.memref_slice %arg5[%dma_wait3A_172] : memref<512xi32, #tpu.memory_space<vmem>> -> memref<448xi32, #tpu.memory_space<vmem>>
      %dma_wait3A_174 = tpu.memref_slice %arg3[%add3A_8] : memref<16384xi32, #tpu.memory_space<hbm>> -> memref<448xi32, #tpu.memory_space<hbm>>
      tpu.wait_dma2 semaphore(%run_scoped3A : memref<!tpu.dma_semaphore, #tpu.memory_space<semaphore_mem>>) src(%dma_wait3A_174 : memref<448xi32, #tpu.memory_space<hbm>>) dst(%dma_wait3A_173 : memref<448xi32, #tpu.memory_space<vmem>>)
      tpu.yield
    }) : () -> ()
    %dma_start3A_9 = arith.constant 64 : i32
    %dma_start3A_10 = tpu.memref_slice %arg5[%dma_start3A_9] : memref<512xi32, #tpu.memory_space<vmem>> -> memref<64xi32, #tpu.memory_space<vmem>>
    %dma_start3A_11 = arith.constant 0 : i32
    %dma_start3A_12 = arith.constant 0 : i32
    %dma_start3A_13 = tpu.memref_slice %arg2[%dma_start3A_11, %dma_start3A_12] : memref<1000x512xf32, #tpu.memory_space<hbm>> -> memref<1000x512xf32, #tpu.memory_space<hbm>>
    tpu.enqueue_indirect_dma source(%dma_start3A_13 : memref<1000x512xf32, #tpu.memory_space<hbm>>) target(%arg7 : memref<64x512xf32, #tpu.memory_space<vmem>>) offsets(%dma_start3A_10 : memref<64xi32, #tpu.memory_space<vmem>>) semaphore(%arg10 : memref<!tpu.dma_semaphore, #tpu.memory_space<semaphore_mem>>)
    %dma_wait3A = arith.constant 0 : i32
    %dma_wait3A_14 = tpu.memref_slice %arg5[%dma_wait3A] : memref<512xi32, #tpu.memory_space<vmem>> -> memref<64xi32, #tpu.memory_space<vmem>>
    %dma_wait3A_15 = arith.constant 0 : i32
    %dma_wait3A_16 = arith.constant 0 : i32
    %dma_wait3A_17 = tpu.memref_slice %arg2[%dma_wait3A_15, %dma_wait3A_16] : memref<1000x512xf32, #tpu.memory_space<hbm>> -> memref<1000x512xf32, #tpu.memory_space<hbm>>
    tpu.wait_indirect_dma semaphore(%arg9 : memref<!tpu.dma_semaphore, #tpu.memory_space<semaphore_mem>>) src(%dma_wait3A_17 : memref<1000x512xf32, #tpu.memory_space<hbm>>) dst(%arg6 : memref<64x512xf32, #tpu.memory_space<vmem>>)
    %dma_start3A_18 = arith.constant 128 : i32
    %dma_start3A_19 = tpu.memref_slice %arg5[%dma_start3A_18] : memref<512xi32, #tpu.memory_space<vmem>> -> memref<64xi32, #tpu.memory_space<vmem>>
    %dma_start3A_20 = arith.constant 0 : i32
    %dma_start3A_21 = arith.constant 0 : i32
    %dma_start3A_22 = tpu.memref_slice %arg2[%dma_start3A_20, %dma_start3A_21] : memref<1000x512xf32, #tpu.memory_space<hbm>> -> memref<1000x512xf32, #tpu.memory_space<hbm>>
    tpu.enqueue_indirect_dma source(%dma_start3A_22 : memref<1000x512xf32, #tpu.memory_space<hbm>>) target(%arg8 : memref<64x512xf32, #tpu.memory_space<vmem>>) offsets(%dma_start3A_19 : memref<64xi32, #tpu.memory_space<vmem>>) semaphore(%arg11 : memref<!tpu.dma_semaphore, #tpu.memory_space<semaphore_mem>>)
    %add3A_23 = arith.constant 0 : i32
    %add3A_24 = arith.addi %mul3A_2, %add3A_23 : i32
    %dma_start3A_25 = arith.constant 0 : i32
    %dma_start3A_26 = tpu.memref_slice %arg4[%add3A_24, %dma_start3A_25] : memref<16384x512xf32, #tpu.memory_space<hbm>> -> memref<64x512xf32, #tpu.memory_space<hbm>>
    %dma_start3A_27 = arith.constant 0 : i32
    %dma_start3A_28 = tpu.memref_slice %arg4[%add3A_24, %dma_start3A_27] : memref<16384x512xf32, #tpu.memory_space<hbm>> -> memref<64x512xf32, #tpu.memory_space<hbm>>
    tpu.enqueue_dma source(%arg6 : memref<64x512xf32, #tpu.memory_space<vmem>>) target(%dma_start3A_28 : memref<64x512xf32, #tpu.memory_space<hbm>>) target_semaphore(%arg12 : memref<!tpu.dma_semaphore, #tpu.memory_space<semaphore_mem>>)
    %dma_wait3A_29 = arith.constant 64 : i32
    %dma_wait3A_30 = tpu.memref_slice %arg5[%dma_wait3A_29] : memref<512xi32, #tpu.memory_space<vmem>> -> memref<64xi32, #tpu.memory_space<vmem>>
    %dma_wait3A_31 = arith.constant 0 : i32
    %dma_wait3A_32 = arith.constant 0 : i32
    %dma_wait3A_33 = tpu.memref_slice %arg2[%dma_wait3A_31, %dma_wait3A_32] : memref<1000x512xf32, #tpu.memory_space<hbm>> -> memref<1000x512xf32, #tpu.memory_space<hbm>>
    tpu.wait_indirect_dma semaphore(%arg10 : memref<!tpu.dma_semaphore, #tpu.memory_space<semaphore_mem>>) src(%dma_wait3A_33 : memref<1000x512xf32, #tpu.memory_space<hbm>>) dst(%arg7 : memref<64x512xf32, #tpu.memory_space<vmem>>)
    %dma_wait3A_34 = arith.constant 0 : i32
    %dma_wait3A_35 = tpu.memref_slice %arg4[%add3A_24, %dma_wait3A_34] : memref<16384x512xf32, #tpu.memory_space<hbm>> -> memref<64x512xf32, #tpu.memory_space<hbm>>
    %dma_wait3A_36 = arith.constant 0 : i32
    %dma_wait3A_37 = tpu.memref_slice %arg4[%add3A_24, %dma_wait3A_36] : memref<16384x512xf32, #tpu.memory_space<hbm>> -> memref<64x512xf32, #tpu.memory_space<hbm>>
    tpu.wait_dma2 semaphore(%arg12 : memref<!tpu.dma_semaphore, #tpu.memory_space<semaphore_mem>>) src(%arg6 : memref<64x512xf32, #tpu.memory_space<vmem>>) dst(%dma_wait3A_37 : memref<64x512xf32, #tpu.memory_space<hbm>>)
    %dma_start3A_38 = arith.constant 192 : i32
    %dma_start3A_39 = tpu.memref_slice %arg5[%dma_start3A_38] : memref<512xi32, #tpu.memory_space<vmem>> -> memref<64xi32, #tpu.memory_space<vmem>>
    %dma_start3A_40 = arith.constant 0 : i32
    %dma_start3A_41 = arith.constant 0 : i32
    %dma_start3A_42 = tpu.memref_slice %arg2[%dma_start3A_40, %dma_start3A_41] : memref<1000x512xf32, #tpu.memory_space<hbm>> -> memref<1000x512xf32, #tpu.memory_space<hbm>>
    tpu.enqueue_indirect_dma source(%dma_start3A_42 : memref<1000x512xf32, #tpu.memory_space<hbm>>) target(%arg6 : memref<64x512xf32, #tpu.memory_space<vmem>>) offsets(%dma_start3A_39 : memref<64xi32, #tpu.memory_space<vmem>>) semaphore(%arg9 : memref<!tpu.dma_semaphore, #tpu.memory_space<semaphore_mem>>)
    %add3A_43 = arith.constant 64 : i32
    %add3A_44 = arith.addi %mul3A_2, %add3A_43 : i32
    %dma_start3A_45 = arith.constant 0 : i32
    %dma_start3A_46 = tpu.memref_slice %arg4[%add3A_44, %dma_start3A_45] : memref<16384x512xf32, #tpu.memory_space<hbm>> -> memref<64x512xf32, #tpu.memory_space<hbm>>
    %dma_start3A_47 = arith.constant 0 : i32
    %dma_start3A_48 = tpu.memref_slice %arg4[%add3A_44, %dma_start3A_47] : memref<16384x512xf32, #tpu.memory_space<hbm>> -> memref<64x512xf32, #tpu.memory_space<hbm>>
    tpu.enqueue_dma source(%arg7 : memref<64x512xf32, #tpu.memory_space<vmem>>) target(%dma_start3A_48 : memref<64x512xf32, #tpu.memory_space<hbm>>) target_semaphore(%arg13 : memref<!tpu.dma_semaphore, #tpu.memory_space<semaphore_mem>>)
    %dma_wait3A_49 = arith.constant 128 : i32
    %dma_wait3A_50 = tpu.memref_slice %arg5[%dma_wait3A_49] : memref<512xi32, #tpu.memory_space<vmem>> -> memref<64xi32, #tpu.memory_space<vmem>>
    %dma_wait3A_51 = arith.constant 0 : i32
    %dma_wait3A_52 = arith.constant 0 : i32
    %dma_wait3A_53 = tpu.memref_slice %arg2[%dma_wait3A_51, %dma_wait3A_52] : memref<1000x512xf32, #tpu.memory_space<hbm>> -> memref<1000x512xf32, #tpu.memory_space<hbm>>
    tpu.wait_indirect_dma semaphore(%arg11 : memref<!tpu.dma_semaphore, #tpu.memory_space<semaphore_mem>>) src(%dma_wait3A_53 : memref<1000x512xf32, #tpu.memory_space<hbm>>) dst(%arg8 : memref<64x512xf32, #tpu.memory_space<vmem>>)
    %dma_wait3A_54 = arith.constant 0 : i32
    %dma_wait3A_55 = tpu.memref_slice %arg4[%add3A_44, %dma_wait3A_54] : memref<16384x512xf32, #tpu.memory_space<hbm>> -> memref<64x512xf32, #tpu.memory_space<hbm>>
    %dma_wait3A_56 = arith.constant 0 : i32
    %dma_wait3A_57 = tpu.memref_slice %arg4[%add3A_44, %dma_wait3A_56] : memref<16384x512xf32, #tpu.memory_space<hbm>> -> memref<64x512xf32, #tpu.memory_space<hbm>>
    tpu.wait_dma2 semaphore(%arg13 : memref<!tpu.dma_semaphore, #tpu.memory_space<semaphore_mem>>) src(%arg7 : memref<64x512xf32, #tpu.memory_space<vmem>>) dst(%dma_wait3A_57 : memref<64x512xf32, #tpu.memory_space<hbm>>)
    %dma_start3A_58 = arith.constant 256 : i32
    %dma_start3A_59 = tpu.memref_slice %arg5[%dma_start3A_58] : memref<512xi32, #tpu.memory_space<vmem>> -> memref<64xi32, #tpu.memory_space<vmem>>
    %dma_start3A_60 = arith.constant 0 : i32
    %dma_start3A_61 = arith.constant 0 : i32
    %dma_start3A_62 = tpu.memref_slice %arg2[%dma_start3A_60, %dma_start3A_61] : memref<1000x512xf32, #tpu.memory_space<hbm>> -> memref<1000x512xf32, #tpu.memory_space<hbm>>
    tpu.enqueue_indirect_dma source(%dma_start3A_62 : memref<1000x512xf32, #tpu.memory_space<hbm>>) target(%arg7 : memref<64x512xf32, #tpu.memory_space<vmem>>) offsets(%dma_start3A_59 : memref<64xi32, #tpu.memory_space<vmem>>) semaphore(%arg10 : memref<!tpu.dma_semaphore, #tpu.memory_space<semaphore_mem>>)
    %add3A_63 = arith.constant 128 : i32
    %add3A_64 = arith.addi %mul3A_2, %add3A_63 : i32
    %dma_start3A_65 = arith.constant 0 : i32
    %dma_start3A_66 = tpu.memref_slice %arg4[%add3A_64, %dma_start3A_65] : memref<16384x512xf32, #tpu.memory_space<hbm>> -> memref<64x512xf32, #tpu.memory_space<hbm>>
    %dma_start3A_67 = arith.constant 0 : i32
    %dma_start3A_68 = tpu.memref_slice %arg4[%add3A_64, %dma_start3A_67] : memref<16384x512xf32, #tpu.memory_space<hbm>> -> memref<64x512xf32, #tpu.memory_space<hbm>>
    tpu.enqueue_dma source(%arg8 : memref<64x512xf32, #tpu.memory_space<vmem>>) target(%dma_start3A_68 : memref<64x512xf32, #tpu.memory_space<hbm>>) target_semaphore(%arg14 : memref<!tpu.dma_semaphore, #tpu.memory_space<semaphore_mem>>)
    %dma_wait3A_69 = arith.constant 192 : i32
    %dma_wait3A_70 = tpu.memref_slice %arg5[%dma_wait3A_69] : memref<512xi32, #tpu.memory_space<vmem>> -> memref<64xi32, #tpu.memory_space<vmem>>
    %dma_wait3A_71 = arith.constant 0 : i32
    %dma_wait3A_72 = arith.constant 0 : i32
    %dma_wait3A_73 = tpu.memref_slice %arg2[%dma_wait3A_71, %dma_wait3A_72] : memref<1000x512xf32, #tpu.memory_space<hbm>> -> memref<1000x512xf32, #tpu.memory_space<hbm>>
    tpu.wait_indirect_dma semaphore(%arg9 : memref<!tpu.dma_semaphore, #tpu.memory_space<semaphore_mem>>) src(%dma_wait3A_73 : memref<1000x512xf32, #tpu.memory_space<hbm>>) dst(%arg6 : memref<64x512xf32, #tpu.memory_space<vmem>>)
    %dma_wait3A_74 = arith.constant 0 : i32
    %dma_wait3A_75 = tpu.memref_slice %arg4[%add3A_64, %dma_wait3A_74] : memref<16384x512xf32, #tpu.memory_space<hbm>> -> memref<64x512xf32, #tpu.memory_space<hbm>>
    %dma_wait3A_76 = arith.constant 0 : i32
    %dma_wait3A_77 = tpu.memref_slice %arg4[%add3A_64, %dma_wait3A_76] : memref<16384x512xf32, #tpu.memory_space<hbm>> -> memref<64x512xf32, #tpu.memory_space<hbm>>
    tpu.wait_dma2 semaphore(%arg14 : memref<!tpu.dma_semaphore, #tpu.memory_space<semaphore_mem>>) src(%arg8 : memref<64x512xf32, #tpu.memory_space<vmem>>) dst(%dma_wait3A_77 : memref<64x512xf32, #tpu.memory_space<hbm>>)
    %dma_start3A_78 = arith.constant 320 : i32
    %dma_start3A_79 = tpu.memref_slice %arg5[%dma_start3A_78] : memref<512xi32, #tpu.memory_space<vmem>> -> memref<64xi32, #tpu.memory_space<vmem>>
    %dma_start3A_80 = arith.constant 0 : i32
    %dma_start3A_81 = arith.constant 0 : i32
    %dma_start3A_82 = tpu.memref_slice %arg2[%dma_start3A_80, %dma_start3A_81] : memref<1000x512xf32, #tpu.memory_space<hbm>> -> memref<1000x512xf32, #tpu.memory_space<hbm>>
    tpu.enqueue_indirect_dma source(%dma_start3A_82 : memref<1000x512xf32, #tpu.memory_space<hbm>>) target(%arg8 : memref<64x512xf32, #tpu.memory_space<vmem>>) offsets(%dma_start3A_79 : memref<64xi32, #tpu.memory_space<vmem>>) semaphore(%arg11 : memref<!tpu.dma_semaphore, #tpu.memory_space<semaphore_mem>>)
    %add3A_83 = arith.constant 192 : i32
    %add3A_84 = arith.addi %mul3A_2, %add3A_83 : i32
    %dma_start3A_85 = arith.constant 0 : i32
    %dma_start3A_86 = tpu.memref_slice %arg4[%add3A_84, %dma_start3A_85] : memref<16384x512xf32, #tpu.memory_space<hbm>> -> memref<64x512xf32, #tpu.memory_space<hbm>>
    %dma_start3A_87 = arith.constant 0 : i32
    %dma_start3A_88 = tpu.memref_slice %arg4[%add3A_84, %dma_start3A_87] : memref<16384x512xf32, #tpu.memory_space<hbm>> -> memref<64x512xf32, #tpu.memory_space<hbm>>
    tpu.enqueue_dma source(%arg6 : memref<64x512xf32, #tpu.memory_space<vmem>>) target(%dma_start3A_88 : memref<64x512xf32, #tpu.memory_space<hbm>>) target_semaphore(%arg12 : memref<!tpu.dma_semaphore, #tpu.memory_space<semaphore_mem>>)
    %dma_wait3A_89 = arith.constant 256 : i32
    %dma_wait3A_90 = tpu.memref_slice %arg5[%dma_wait3A_89] : memref<512xi32, #tpu.memory_space<vmem>> -> memref<64xi32, #tpu.memory_space<vmem>>
    %dma_wait3A_91 = arith.constant 0 : i32
    %dma_wait3A_92 = arith.constant 0 : i32
    %dma_wait3A_93 = tpu.memref_slice %arg2[%dma_wait3A_91, %dma_wait3A_92] : memref<1000x512xf32, #tpu.memory_space<hbm>> -> memref<1000x512xf32, #tpu.memory_space<hbm>>
    tpu.wait_indirect_dma semaphore(%arg10 : memref<!tpu.dma_semaphore, #tpu.memory_space<semaphore_mem>>) src(%dma_wait3A_93 : memref<1000x512xf32, #tpu.memory_space<hbm>>) dst(%arg7 : memref<64x512xf32, #tpu.memory_space<vmem>>)
    %dma_wait3A_94 = arith.constant 0 : i32
    %dma_wait3A_95 = tpu.memref_slice %arg4[%add3A_84, %dma_wait3A_94] : memref<16384x512xf32, #tpu.memory_space<hbm>> -> memref<64x512xf32, #tpu.memory_space<hbm>>
    %dma_wait3A_96 = arith.constant 0 : i32
    %dma_wait3A_97 = tpu.memref_slice %arg4[%add3A_84, %dma_wait3A_96] : memref<16384x512xf32, #tpu.memory_space<hbm>> -> memref<64x512xf32, #tpu.memory_space<hbm>>
    tpu.wait_dma2 semaphore(%arg12 : memref<!tpu.dma_semaphore, #tpu.memory_space<semaphore_mem>>) src(%arg6 : memref<64x512xf32, #tpu.memory_space<vmem>>) dst(%dma_wait3A_97 : memref<64x512xf32, #tpu.memory_space<hbm>>)
    %dma_start3A_98 = arith.constant 384 : i32
    %dma_start3A_99 = tpu.memref_slice %arg5[%dma_start3A_98] : memref<512xi32, #tpu.memory_space<vmem>> -> memref<64xi32, #tpu.memory_space<vmem>>
    %dma_start3A_100 = arith.constant 0 : i32
    %dma_start3A_101 = arith.constant 0 : i32
    %dma_start3A_102 = tpu.memref_slice %arg2[%dma_start3A_100, %dma_start3A_101] : memref<1000x512xf32, #tpu.memory_space<hbm>> -> memref<1000x512xf32, #tpu.memory_space<hbm>>
    tpu.enqueue_indirect_dma source(%dma_start3A_102 : memref<1000x512xf32, #tpu.memory_space<hbm>>) target(%arg6 : memref<64x512xf32, #tpu.memory_space<vmem>>) offsets(%dma_start3A_99 : memref<64xi32, #tpu.memory_space<vmem>>) semaphore(%arg9 : memref<!tpu.dma_semaphore, #tpu.memory_space<semaphore_mem>>)
    %add3A_103 = arith.constant 256 : i32
    %add3A_104 = arith.addi %mul3A_2, %add3A_103 : i32
    %dma_start3A_105 = arith.constant 0 : i32
    %dma_start3A_106 = tpu.memref_slice %arg4[%add3A_104, %dma_start3A_105] : memref<16384x512xf32, #tpu.memory_space<hbm>> -> memref<64x512xf32, #tpu.memory_space<hbm>>
    %dma_start3A_107 = arith.constant 0 : i32
    %dma_start3A_108 = tpu.memref_slice %arg4[%add3A_104, %dma_start3A_107] : memref<16384x512xf32, #tpu.memory_space<hbm>> -> memref<64x512xf32, #tpu.memory_space<hbm>>
    tpu.enqueue_dma source(%arg7 : memref<64x512xf32, #tpu.memory_space<vmem>>) target(%dma_start3A_108 : memref<64x512xf32, #tpu.memory_space<hbm>>) target_semaphore(%arg13 : memref<!tpu.dma_semaphore, #tpu.memory_space<semaphore_mem>>)
    %dma_wait3A_109 = arith.constant 320 : i32
    %dma_wait3A_110 = tpu.memref_slice %arg5[%dma_wait3A_109] : memref<512xi32, #tpu.memory_space<vmem>> -> memref<64xi32, #tpu.memory_space<vmem>>
    %dma_wait3A_111 = arith.constant 0 : i32
    %dma_wait3A_112 = arith.constant 0 : i32
    %dma_wait3A_113 = tpu.memref_slice %arg2[%dma_wait3A_111, %dma_wait3A_112] : memref<1000x512xf32, #tpu.memory_space<hbm>> -> memref<1000x512xf32, #tpu.memory_space<hbm>>
    tpu.wait_indirect_dma semaphore(%arg11 : memref<!tpu.dma_semaphore, #tpu.memory_space<semaphore_mem>>) src(%dma_wait3A_113 : memref<1000x512xf32, #tpu.memory_space<hbm>>) dst(%arg8 : memref<64x512xf32, #tpu.memory_space<vmem>>)
    %dma_wait3A_114 = arith.constant 0 : i32
    %dma_wait3A_115 = tpu.memref_slice %arg4[%add3A_104, %dma_wait3A_114] : memref<16384x512xf32, #tpu.memory_space<hbm>> -> memref<64x512xf32, #tpu.memory_space<hbm>>
    %dma_wait3A_116 = arith.constant 0 : i32
    %dma_wait3A_117 = tpu.memref_slice %arg4[%add3A_104, %dma_wait3A_116] : memref<16384x512xf32, #tpu.memory_space<hbm>> -> memref<64x512xf32, #tpu.memory_space<hbm>>
    tpu.wait_dma2 semaphore(%arg13 : memref<!tpu.dma_semaphore, #tpu.memory_space<semaphore_mem>>) src(%arg7 : memref<64x512xf32, #tpu.memory_space<vmem>>) dst(%dma_wait3A_117 : memref<64x512xf32, #tpu.memory_space<hbm>>)
    %dma_start3A_118 = arith.constant 448 : i32
    %dma_start3A_119 = tpu.memref_slice %arg5[%dma_start3A_118] : memref<512xi32, #tpu.memory_space<vmem>> -> memref<64xi32, #tpu.memory_space<vmem>>
    %dma_start3A_120 = arith.constant 0 : i32
    %dma_start3A_121 = arith.constant 0 : i32
    %dma_start3A_122 = tpu.memref_slice %arg2[%dma_start3A_120, %dma_start3A_121] : memref<1000x512xf32, #tpu.memory_space<hbm>> -> memref<1000x512xf32, #tpu.memory_space<hbm>>
    tpu.enqueue_indirect_dma source(%dma_start3A_122 : memref<1000x512xf32, #tpu.memory_space<hbm>>) target(%arg7 : memref<64x512xf32, #tpu.memory_space<vmem>>) offsets(%dma_start3A_119 : memref<64xi32, #tpu.memory_space<vmem>>) semaphore(%arg10 : memref<!tpu.dma_semaphore, #tpu.memory_space<semaphore_mem>>)
    %add3A_123 = arith.constant 320 : i32
    %add3A_124 = arith.addi %mul3A_2, %add3A_123 : i32
    %dma_start3A_125 = arith.constant 0 : i32
    %dma_start3A_126 = tpu.memref_slice %arg4[%add3A_124, %dma_start3A_125] : memref<16384x512xf32, #tpu.memory_space<hbm>> -> memref<64x512xf32, #tpu.memory_space<hbm>>
    %dma_start3A_127 = arith.constant 0 : i32
    %dma_start3A_128 = tpu.memref_slice %arg4[%add3A_124, %dma_start3A_127] : memref<16384x512xf32, #tpu.memory_space<hbm>> -> memref<64x512xf32, #tpu.memory_space<hbm>>
    tpu.enqueue_dma source(%arg8 : memref<64x512xf32, #tpu.memory_space<vmem>>) target(%dma_start3A_128 : memref<64x512xf32, #tpu.memory_space<hbm>>) target_semaphore(%arg14 : memref<!tpu.dma_semaphore, #tpu.memory_space<semaphore_mem>>)
    %dma_wait3A_129 = arith.constant 384 : i32
    %dma_wait3A_130 = tpu.memref_slice %arg5[%dma_wait3A_129] : memref<512xi32, #tpu.memory_space<vmem>> -> memref<64xi32, #tpu.memory_space<vmem>>
    %dma_wait3A_131 = arith.constant 0 : i32
    %dma_wait3A_132 = arith.constant 0 : i32
    %dma_wait3A_133 = tpu.memref_slice %arg2[%dma_wait3A_131, %dma_wait3A_132] : memref<1000x512xf32, #tpu.memory_space<hbm>> -> memref<1000x512xf32, #tpu.memory_space<hbm>>
    tpu.wait_indirect_dma semaphore(%arg9 : memref<!tpu.dma_semaphore, #tpu.memory_space<semaphore_mem>>) src(%dma_wait3A_133 : memref<1000x512xf32, #tpu.memory_space<hbm>>) dst(%arg6 : memref<64x512xf32, #tpu.memory_space<vmem>>)
    %add3A_134 = arith.constant 384 : i32
    %add3A_135 = arith.addi %mul3A_2, %add3A_134 : i32
    %dma_start3A_136 = arith.constant 0 : i32
    %dma_start3A_137 = tpu.memref_slice %arg4[%add3A_135, %dma_start3A_136] : memref<16384x512xf32, #tpu.memory_space<hbm>> -> memref<64x512xf32, #tpu.memory_space<hbm>>
    %dma_start3A_138 = arith.constant 0 : i32
    %dma_start3A_139 = tpu.memref_slice %arg4[%add3A_135, %dma_start3A_138] : memref<16384x512xf32, #tpu.memory_space<hbm>> -> memref<64x512xf32, #tpu.memory_space<hbm>>
    tpu.enqueue_dma source(%arg6 : memref<64x512xf32, #tpu.memory_space<vmem>>) target(%dma_start3A_139 : memref<64x512xf32, #tpu.memory_space<hbm>>) target_semaphore(%arg12 : memref<!tpu.dma_semaphore, #tpu.memory_space<semaphore_mem>>)
    %dma_wait3A_140 = arith.constant 448 : i32
    %dma_wait3A_141 = tpu.memref_slice %arg5[%dma_wait3A_140] : memref<512xi32, #tpu.memory_space<vmem>> -> memref<64xi32, #tpu.memory_space<vmem>>
    %dma_wait3A_142 = arith.constant 0 : i32
    %dma_wait3A_143 = arith.constant 0 : i32
    %dma_wait3A_144 = tpu.memref_slice %arg2[%dma_wait3A_142, %dma_wait3A_143] : memref<1000x512xf32, #tpu.memory_space<hbm>> -> memref<1000x512xf32, #tpu.memory_space<hbm>>
    tpu.wait_indirect_dma semaphore(%arg10 : memref<!tpu.dma_semaphore, #tpu.memory_space<semaphore_mem>>) src(%dma_wait3A_144 : memref<1000x512xf32, #tpu.memory_space<hbm>>) dst(%arg7 : memref<64x512xf32, #tpu.memory_space<vmem>>)
    %add3A_145 = arith.constant 448 : i32
    %add3A_146 = arith.addi %mul3A_2, %add3A_145 : i32
    %dma_start3A_147 = arith.constant 0 : i32
    %dma_start3A_148 = tpu.memref_slice %arg4[%add3A_146, %dma_start3A_147] : memref<16384x512xf32, #tpu.memory_space<hbm>> -> memref<64x512xf32, #tpu.memory_space<hbm>>
    %dma_start3A_149 = arith.constant 0 : i32
    %dma_start3A_150 = tpu.memref_slice %arg4[%add3A_146, %dma_start3A_149] : memref<16384x512xf32, #tpu.memory_space<hbm>> -> memref<64x512xf32, #tpu.memory_space<hbm>>
    tpu.enqueue_dma source(%arg7 : memref<64x512xf32, #tpu.memory_space<vmem>>) target(%dma_start3A_150 : memref<64x512xf32, #tpu.memory_space<hbm>>) target_semaphore(%arg13 : memref<!tpu.dma_semaphore, #tpu.memory_space<semaphore_mem>>)
    %dma_wait3A_151 = arith.constant 0 : i32
    %dma_wait3A_152 = tpu.memref_slice %arg4[%add3A_124, %dma_wait3A_151] : memref<16384x512xf32, #tpu.memory_space<hbm>> -> memref<64x512xf32, #tpu.memory_space<hbm>>
    %dma_wait3A_153 = arith.constant 0 : i32
    %dma_wait3A_154 = tpu.memref_slice %arg4[%add3A_124, %dma_wait3A_153] : memref<16384x512xf32, #tpu.memory_space<hbm>> -> memref<64x512xf32, #tpu.memory_space<hbm>>
    tpu.wait_dma2 semaphore(%arg14 : memref<!tpu.dma_semaphore, #tpu.memory_space<semaphore_mem>>) src(%arg8 : memref<64x512xf32, #tpu.memory_space<vmem>>) dst(%dma_wait3A_154 : memref<64x512xf32, #tpu.memory_space<hbm>>)
    %dma_wait3A_155 = arith.constant 0 : i32
    %dma_wait3A_156 = tpu.memref_slice %arg4[%add3A_135, %dma_wait3A_155] : memref<16384x512xf32, #tpu.memory_space<hbm>> -> memref<64x512xf32, #tpu.memory_space<hbm>>
    %dma_wait3A_157 = arith.constant 0 : i32
    %dma_wait3A_158 = tpu.memref_slice %arg4[%add3A_135, %dma_wait3A_157] : memref<16384x512xf32, #tpu.memory_space<hbm>> -> memref<64x512xf32, #tpu.memory_space<hbm>>
    tpu.wait_dma2 semaphore(%arg12 : memref<!tpu.dma_semaphore, #tpu.memory_space<semaphore_mem>>) src(%arg6 : memref<64x512xf32, #tpu.memory_space<vmem>>) dst(%dma_wait3A_158 : memref<64x512xf32, #tpu.memory_space<hbm>>)
    %dma_wait3A_159 = arith.constant 0 : i32
    %dma_wait3A_160 = tpu.memref_slice %arg4[%add3A_146, %dma_wait3A_159] : memref<16384x512xf32, #tpu.memory_space<hbm>> -> memref<64x512xf32, #tpu.memory_space<hbm>>
    %dma_wait3A_161 = arith.constant 0 : i32
    %dma_wait3A_162 = tpu.memref_slice %arg4[%add3A_146, %dma_wait3A_161] : memref<16384x512xf32, #tpu.memory_space<hbm>> -> memref<64x512xf32, #tpu.memory_space<hbm>>
    tpu.wait_dma2 semaphore(%arg13 : memref<!tpu.dma_semaphore, #tpu.memory_space<semaphore_mem>>) src(%arg7 : memref<64x512xf32, #tpu.memory_space<vmem>>) dst(%dma_wait3A_162 : memref<64x512xf32, #tpu.memory_space<hbm>>)
    return
  }
}

module attributes {stable_mosaic.version = 14 : i64} {
  func.func @_table_body(%arg0: memref<1000x128xf32, #tpu.memory_space<vmem>>, %arg1: memref<128x512xf32, #tpu.memory_space<vmem>>, %arg2: memref<1x512xf32, #tpu.memory_space<vmem>>, %arg3: memref<512x512xf32, #tpu.memory_space<vmem>>, %arg4: memref<1x512xf32, #tpu.memory_space<vmem>>, %arg5: memref<1000x512xf32, #tpu.memory_space<vmem>>) attributes {dimension_semantics = [], scalar_prefetch = 0 : i64, scratch_operands = 0 : i64, tpu.core_type = #tpu.core_type<tc>} {
    %get3A = arith.constant 0 : index
    %get3A_0 = arith.constant 0 : index
    %get3A_1 = vector.load %arg0[%get3A, %get3A_0] : memref<1000x128xf32, #tpu.memory_space<vmem>>, vector<1000x128xf32>
    %get3A_2 = arith.constant 0 : index
    %get3A_3 = arith.constant 0 : index
    %get3A_4 = vector.load %arg1[%get3A_2, %get3A_3] : memref<128x512xf32, #tpu.memory_space<vmem>>, vector<128x512xf32>
    %dot_general3A = arith.constant dense<0.000000e+00> : vector<1000x512xf32>
    %dot_general3A_5 = tpu.matmul %get3A_1, %get3A_4, %dot_general3A {dimension_numbers = #tpu.dot_dimension_numbers<[1], [0], [0], [1], [0, 0, 1, 1], [], []>, transpose_lhs_hint = false} : vector<1000x128xf32>, vector<128x512xf32>, vector<1000x512xf32> -> vector<1000x512xf32>
    %get3A_6 = arith.constant 0 : index
    %get3A_7 = arith.constant 0 : index
    %get3A_8 = vector.load %arg2[%get3A_6, %get3A_7] : memref<1x512xf32, #tpu.memory_space<vmem>>, vector<1x512xf32>
    %add3A = vector.broadcast %get3A_8 : vector<1x512xf32> to vector<1000x512xf32>
    %add3A_9 = arith.addf %dot_general3A_5, %add3A : vector<1000x512xf32>
    %logistic3A = arith.negf %add3A_9 : vector<1000x512xf32>
    %logistic3A_10 = math.exp %logistic3A : vector<1000x512xf32>
    %logistic3A_11 = arith.constant 1.000000e+00 : f32
    %logistic3A_12 = vector.broadcast %logistic3A_11 : f32 to vector<1000x512xf32>
    %logistic3A_13 = arith.addf %logistic3A_12, %logistic3A_10 : vector<1000x512xf32>
    %logistic3A_14 = arith.divf %logistic3A_12, %logistic3A_13 : vector<1000x512xf32>
    %mul3A = arith.mulf %add3A_9, %logistic3A_14 : vector<1000x512xf32>
    %get3A_15 = arith.constant 0 : index
    %get3A_16 = arith.constant 0 : index
    %get3A_17 = vector.load %arg3[%get3A_15, %get3A_16] : memref<512x512xf32, #tpu.memory_space<vmem>>, vector<512x512xf32>
    %dot_general3A_18 = arith.constant dense<0.000000e+00> : vector<1000x512xf32>
    %dot_general3A_19 = tpu.matmul %mul3A, %get3A_17, %dot_general3A_18 {dimension_numbers = #tpu.dot_dimension_numbers<[1], [0], [0], [1], [0, 0, 1, 1], [], []>, transpose_lhs_hint = false} : vector<1000x512xf32>, vector<512x512xf32>, vector<1000x512xf32> -> vector<1000x512xf32>
    %get3A_20 = arith.constant 0 : index
    %get3A_21 = arith.constant 0 : index
    %get3A_22 = vector.load %arg4[%get3A_20, %get3A_21] : memref<1x512xf32, #tpu.memory_space<vmem>>, vector<1x512xf32>
    %add3A_23 = vector.broadcast %get3A_22 : vector<1x512xf32> to vector<1000x512xf32>
    %add3A_24 = arith.addf %dot_general3A_19, %add3A_23 : vector<1000x512xf32>
    %swap3A = arith.constant 0 : index
    %swap3A_25 = arith.constant 0 : index
    %swap3A_26 = vector.load %arg5[%swap3A, %swap3A_25] : memref<1000x512xf32, #tpu.memory_space<vmem>>, vector<1000x512xf32>
    tpu.vector_store %arg5[%swap3A, %swap3A_25], %add3A_24 {strides = array<i32>} : memref<1000x512xf32, #tpu.memory_space<vmem>>, vector<1000x512xf32>,
    return
  }
}

</mosaic_0001>

<sc_bundles>
// kernel: kernel.4.cloned.1.call-start
scs
__scs_entry_jumppad:
0x0: {  	(pc) =	sbr.rel $0x88, $3  }
0x1: {  	(tag) =	ssettag $0x0;
	lr =	simm.s32 $0x1  }
0x2: {  	[smem:$0x3F9B] =	sst lr;
	_ =	strace $0xD0000000  }
0x3: {  	_ = 	snop  }
0x4: {  	_ = 	snop  }
0x5: {  	_ = 	snop  }
0x6: {  	_ = 	snop  }
0x7: {  	_ = 	snop  }
__scs_overlays_trampoline_lowered:
0x8: {  	[smem:$0x3FAA] =	sst s0  }
0x9: {  	[smem:$0x3FAB] =	sst s1  }
0xa: {  	[smem:$0x3FAC] =	sst s2  }
0xb: {  	[smem:$0x3FAD] =	sst s3  }
0xc: {  	[smem:$0x3FAE] =	sst s4  }
0xd: {  	[smem:$0x3FAF] =	sst s5  }
0xe: {  	[smem:$0x3FB0] =	sst s6  }
0xf: {  	[smem:$0x3FB1] =	sst s7  }
0x10: {  	[smem:$0x3FB2] =	sst s8  }
0x11: {  	[smem:$0x3FB3] =	sst s9;
	s0 =	simm.s32 @!p0 $0x0  }
0x12: {  	s1 =	sld [smem:$0x3F99];
	s0 =	simm.s32 @p0 $0x1  }
0x13: {  	[smem:$0x3FB4] =	sst s0;
	s0 =	simm.s32 @!p1 $0x0  }
0x14: {  	s2 =	sld [smem:$0x3F98];
	s0 =	simm.s32 @p1 $0x1  }
0x15: {  	[smem:$0x3FB5] =	sst s0;
	s0 =	simm.s32 @!p2 $0x0  }
0x16: {  	s3 =	sld [smem:$0x3FDB];
	s0 =	simm.s32 @p2 $0x1  }
0x17: {  	s4 =	simm.s32 $0x1BF5;
	[smem:$0x3FB7] =	sst s0  }
0x18: {  	s0 =	sld [smem:$0x3F9A];
	_ =	swait.ge [sflag:s4], $0x0  }
0x19: {  	s7 =	sld [smem:$0x3F9B]  }
0x1a: {  	s8 =	sadd.s32 $0xFFFFE003, lr  }
0x1b: {  	s9 =	sadd.s32 $0xFFFFFEF7, lr;
	s5 =	simm.s32 $0xFFFFFFFF;
	p2 =	slt.u32 s8, $0xFFFFF086  }
0x1c: {  	p1 =	slt.u32 s9, $0xF7A;
	s5 =	simm.s32 @!p2 $0x0  }
0x1d: {  	s5 =	simm.s32 @p1 $0x1;
	p0 =	seq.s32 s7, s2  }
0x1e: {  	s7 =	smul.u32 @!p0 $0xF7A, s2;
	p2 =	seq.s32 @!p0 s5, $0x0  }
0x1f: {  	s9 =	smul.u32 $0xF7A, s1;
	s8 =	simm.s32 @!p0 $0x1BF5;
	p2 =	por !p2, p0  }
0x20: {  	[sflag:s8] =	ssyncset.s32 @!p0 $0xFFFFF086;
	s6 =	sadd.s32 @!p0 s3, s7;
	s7 =	simm.s32 @!p0 $0x108  }
0x21: {  	s3 =	sadd.s32 s3, s9;
	s6 =	sadd.s32 @!p0 $0x88, s6;
	s7 =	simm.s32 @p2 $0x1082  }
0x22: {  	[simem:s7], [sflag:s8] =	dma.local @!p0 [hbm:s6], $0xF7A  }
0x23: {  	s9 =	sor.u32 $0xD0000000, s2;
	s6 =	simm.s32 $0x108;
	_ =	swait.ge @!p0 [sflag:s8], $0x0  }
0x24: {  	s3 =	sadd.s32 $0x88, s3;
	s6 =	simm.s32 @!p1 $0x1082;
	[sflag:s4] =	ssyncset.s32 $0xFFFFF086  }
0x25: {  	[simem:s6], [sflag:s4] =	dma.local [hbm:s3], $0xF7A  }
0x26: {  	[smem:$0x3F9B] =	sst s1;
	(tag) =	ssettag s2;
	_ =	strace s9  }
0x27: {  	s1 =	sld [smem:$0x3FAB]  }
0x28: {  	s2 =	sld [smem:$0x3FAC]  }
0x29: {  	s4 =	sld [smem:$0x3FAE]  }
0x2a: {  	p0 =	seq.s32 s5, $0x0;
	s5 =	sld [smem:$0x3FAF]  }
0x2b: {  	s6 =	sld [smem:$0x3FB0]  }
0x2c: {  	s7 =	sld [smem:$0x3FB1]  }
0x2d: {  	s3 =	simm.s32 $0x108;
	s8 =	sld [smem:$0x3FB2]  }
0x2e: {  	s3 =	simm.s32 @!p0 $0x1082;
	s9 =	sld [smem:$0x3FB3]  }
0x2f: {  	lr =	sadd.s32 s0, s3;
	s0 =	sld [smem:$0x3FAA]  }
0x30: {  	s3 =	sld [smem:$0x3FAD]  }
0x31: {  	[smem:$0x3FB6] =	sst s10  }
0x32: {  	s10 =	sld [smem:$0x3FB4];
	_ =	sdelay $0x3  }
0x33: {  	p0 =	seq.s32 s10, $0x1;
	s10 =	sld [smem:$0x3FB6];
	_ =	sdelay $0x3  }
0x34: {  	[smem:$0x3FB6] =	sst s10  }
0x35: {  	s10 =	sld [smem:$0x3FB5];
	_ =	sdelay $0x3  }
0x36: {  	p1 =	seq.s32 s10, $0x1;
	s10 =	sld [smem:$0x3FB6];
	_ =	sdelay $0x3  }
0x37: {  	[smem:$0x3FB6] =	sst s10  }
0x38: {  	s10 =	sld [smem:$0x3FB7]  }
0x39: {  	_ = 	snop;
	(pc) =	sbr.ind lr, $3  }
0x3a: {  	_ = 	snop  }
0x3b: {  	_ = 	snop  }
0x3c: {  	p2 =	seq.s32 s10, $0x1;
	s10 =	sld [smem:$0x3FB6]  }
0x3d: {  	_ =	shalt  }
0x3e: {  	_ =	shalt  }
0x3f: {  	_ =	shalt  }
0x40: {  	_ =	shalt  }
0x41: {  	_ =	shalt  }
0x42: {  	_ =	shalt  }
0x43: {  	_ =	shalt  }
0x44: {  	_ =	shalt  }
0x45: {  	_ =	shalt  }
0x46: {  	_ =	shalt  }
0x47: {  	_ =	shalt  }
0x48: {  	_ =	shalt  }
0x49: {  	_ =	shalt  }
0x4a: {  	_ =	shalt  }
0x4b: {  	_ =	shalt  }
0x4c: {  	_ =	shalt  }
0x4d: {  	_ =	shalt  }
0x4e: {  	_ =	shalt  }
0x4f: {  	_ =	shalt  }
0x50: {  	_ =	shalt  }
0x51: {  	_ =	shalt  }
0x52: {  	_ =	shalt  }
0x53: {  	_ =	shalt  }
0x54: {  	_ =	shalt  }
0x55: {  	_ =	shalt  }
0x56: {  	_ =	shalt  }
0x57: {  	_ =	shalt  }
0x58: {  	_ =	shalt  }
0x59: {  	_ =	shalt  }
0x5a: {  	_ =	shalt  }
0x5b: {  	_ =	shalt  }
0x5c: {  	_ =	shalt  }
0x5d: {  	_ =	shalt  }
0x5e: {  	_ =	shalt  }
0x5f: {  	_ =	shalt  }
0x60: {  	_ =	shalt  }
0x61: {  	_ =	shalt  }
0x62: {  	_ =	shalt  }
0x63: {  	_ =	shalt  }
0x64: {  	_ =	shalt  }
0x65: {  	_ =	shalt  }
0x66: {  	_ =	shalt  }
0x67: {  	_ =	shalt  }
0x68: {  	_ =	shalt  }
0x69: {  	_ =	shalt  }
0x6a: {  	_ =	shalt  }
0x6b: {  	_ =	shalt  }
0x6c: {  	_ =	shalt  }
0x6d: {  	_ =	shalt  }
0x6e: {  	_ =	shalt  }
0x6f: {  	_ =	shalt  }
0x70: {  	_ =	shalt  }
0x71: {  	_ =	shalt  }
0x72: {  	_ =	shalt  }
0x73: {  	_ =	shalt  }
0x74: {  	_ =	shalt  }
0x75: {  	_ =	shalt  }
0x76: {  	_ =	shalt  }
0x77: {  	_ =	shalt  }
0x78: {  	_ =	shalt  }
0x79: {  	_ =	shalt  }
0x7a: {  	_ =	shalt  }
0x7b: {  	_ =	shalt  }
0x7c: {  	_ =	shalt  }
0x7d: {  	_ =	shalt  }
0x7e: {  	_ =	shalt  }
0x7f: {  	_ =	shalt  }
0x80: {  	_ =	shalt  }
0x81: {  	_ =	shalt  }
0x82: {  	_ =	shalt  }
0x83: {  	_ =	shalt  }
0x84: {  	_ =	shalt  }
0x85: {  	_ =	shalt  }
0x86: {  	_ =	shalt  }
0x87: {  	_ =	shalt  }
.Lfunc_end0:
.L_simem_size_0:
called_computation_lowered:
.L_overlay_start_0:
0x88: {  	s2 =	sld [smem:$0x3FD9]  }
0x89: {  	s3 =	sld [smem:$0x3FFE];
	_ =	sdelay $0x1  }
0x8a: {  	s1 =	srdreg.scid  }
0x8b: {  	s0 =	sand.u32 $0x1, s1  }
0x8c: {  	s17 =	sshll.u32 s0, $0xA;
	s2 =	sadd.s32 s3, s2  }
0x8d: {  	s2 =	sadd.s32 s2, s17  }
0x8e: {  	[smem:$0x3FC2] =	sst s2  }
0x8f: {  	_ = 	snop  }
0x90: {  	s2 =	sld [smem:$0x3FC9]  }
0x91: {  	s18 =	sld [smem:$0x3FD0];
	(tm) =	ssettm $0x1  }
0x92: {  	s4 =	sld [smem:$0x3FFB];
	_ =	sdelay $0x3  }
0x93: {  	_ =	strace s4  }
0x94: {  	s4 =	sld [smem:$0x3FFC];
	_ =	sdelay $0x3  }
0x95: {  	_ =	strace s4  }
0x96: {  	s4 =	sld [smem:$0x3FFD];
	_ =	sdelay $0x3  }
0x97: {  	_ =	strace s4  }
0x98: {  	_ =	strace $0x8FFFFFFF  }
0x99: {  	s19 =	sld [smem:$0x3FDB];
	_ =	sdelay $0x1  }
0x9a: {  	s5 =	simm.s32 $_scs_section_size  }
0x9b: {  	s6 =	simm.s32 $_size__tile_overlayer_lowered;
	s7 =	simm.s32 $_tile_overlayer_lowered  }
0x9c: {  	s22 =	simm.s32 $0x1BFF;
	s21 =	sshll.u32 s7, $0x1;
	s4 =	sadd.s32 s5, s19  }
0x9d: {  	s8 =	simm.s32 $0x0;
	s20 =	sshll.u32 s6, $0x1;
	s6 =	sadd.s32 s21, s4  }
0x9e: {  	[timem:s8], [sflag:s22] =	dma.local [hbm:s6], s20  }
0x9f: {  	_ =	swait.ge [sflag:s22], s20  }
0xa0: {  	s5 =	ssub.s32 $0x0, s20;
	[sflag:s22] =	ssyncset.done $0x0  }
0xa1: {  	[sflag:s22] =	ssyncadd.s32 s5;
	_ =	sdelay $0x1  }
0xa2: {  	s23 =	simm.s32 $0x1B8B  }
0xa3: {  	_ =	swait.ge [sflag:s23], $0x1  }
0xa4: {  	[sflag:s23] =	ssyncset.done $0x0  }
0xa5: {  	s25 =	simm.s32 $0x1B8E;
	s24 =	sld [smem:$0x3FFE];
	[sflag:s23] =	ssyncadd.s32 $0xFFFFFFFF  }
0xa6: {  	s26 =	simm.s32 $execute0_lowered;
	[smem:$0x3FD2] =	sst s25  }
0xa7: {  	s6 =	sshll.u32 s26, $0x1;
	_ =	strace $0x80000046;
	[dreg:$0x1] =	wrdreg $0xFFFFFFFF  }
0xa8: {  	s28 =	simm.s32 $_size_execute0_lowered;
	s4 =	sadd.s32 s4, s6;
	[dreg:$0x0] =	wrdreg $0x0  }
0xa9: {  	s6 =	sshll.u32 s28, $0x1;
	[dreg:$0x2] =	wrdreg s4  }
0xaa: {  	[dreg:$0x3] =	wrdreg s6  }
0xab: {  	[dreg:$0x4] =	wrdreg $0xC0  }
0xac: {  	_ =	task [dreg:s8], $0x5FFFF  }
0xad: {  	[dreg:$0x1] =	wrdreg $0xFFFFFFFF  }
0xae: {  	[dreg:$0x0] =	wrdreg $0x60  }
0xaf: {  	[dreg:$0x2] =	wrdreg s24  }
0xb0: {  	[dreg:$0x3] =	wrdreg s2  }
0xb1: {  	[dreg:$0x4] =	wrdreg s18  }
0xb2: {  	[dreg:$0x5] =	wrdreg $0x9  }
0xb3: {  	_ =	task.clear_ibuf [dreg:s8], $0x6FFFF;
	_ =	strace $0x90000046  }
0xb4: {  	s29 =	simm.s32 $0x9;
	_ =	strace $0x80000048  }
0xb5: {  	_ =	swait.ge [sflag:s29], $0x1  }
0xb6: {  	[sflag:s29] =	ssyncadd.s32 $0xFFFFFFFF  }
0xb7: {  	_ =	strace $0x90000048  }
0xb8: {  	_ =	sfence  }
0xb9: {  	s30 =	sld [smem:$0x0];
	_ =	sdelay $0x2  }
0xba: {  	s31 =	sshll.u32 s1, $0xD;
	s1 =	sshrl.u32 s1, $0x2  }
0xbb: {  	s3 =	sand.u32 $0x4000, s31;
	s1 =	sadd.s32 s1, s30  }
0xbc: {  	s0 =	sor.u32 s3, s0;
	s1 =	sshll.u32 s1, $0x11  }
0xbd: {  	s0 =	sor.u32 s1, s0  }
0xbe: {  	s0 =	sadd.s32 $0x8F2B, s0  }
0xbf: {  	[sflag:s0] =	ssyncadd.remote.s32 $0x1  }
0xc0: {  	_ =	sfence.sel $0xFFFF  }
0xc1: {  	[dreg:$0x0] =	wrdreg $0xFFFFFFFF;
	(pc) =	sbr.abs _section_cstart, $3  }
0xc2: {  	[dreg:$0x1] =	wrdreg $0xFFFFFFFF  }
0xc3: {  	_ =	task.clear_ibuf [dreg:s8], $0x2FFFF;
	_ =	strace $0x9FFFFFFF  }
0xc4: {  	(tm) =	ssettm $0x7FFFFFFF  }
0xc5: {  	_ =	shalt  }
tec
execute0_lowered:
.L_overlay_start_1:
0x0: {  	(tag) =	ssettag $0x1  }
0x1: {  	s0 =	rddreg [dreg:$0x0];
	s1 =	srdreg.scid  }
0x2: {  	s3 =	rddreg [dreg:$0x1];
	s2 =	stileid.u32  }
0x3: {  	s4 =	rddreg [dreg:$0x2];
	s26 =	simm.s32 $0x40;
	s14 =	simm.s32 $0x8200  }
0x4: {  	s8 =	simm.s32 $0x11A00;
	s9 =	simm.s32 $0x12200;
	s10 =	simm.s32 $0x12A00  }
0x5: {  	s11 =	simm.s32 $0x13200;
	s12 =	simm.s32 $0x13A00;
	s13 =	simm.s32 $0x14200  }
0x6: {  	s28 =	simm.s32 $0x16200;
	s29 =	simm.s32 $0x16A00;
	s30 =	simm.s32 $0x17200  }
0x7: {  	s1 =	sand.u32 $0x1, s1;
	s5 =	sshll.u32 s2, $0xA;
	s2 =	simm.s32 $0x0  }
0x8: {  	s31 =	simm.s32 $0x17A00;
	s6 =	sshll.u32 s1, $0x9;
	[smem:$0x7FF] =	sst s2  }
0x9: {  	s1 =	ssub.s32 $0x2, s1;
	s5 =	sor.u32 s6, s5;
	_ =	strace $0x80000047  }
0xa: {  	s23 =	sshrl.u32 s1, $0x1;
	[dreg:$0xd] =	wrdreg s26;
	s6 =	sshrl.u32 s5, $0x3  }
0xb: {  	s7 =	sor.u32 $0x40, s5;
	s5 =	sshll.u32 s5, $0x6;
	s6 =	sadd.s32 s3, s6  }
0xc: {  	s15 =	sshrl.u32 s7, $0x3;
	s17 =	sadd.s32 s4, s5;
	[dreg:$0x4] =	wrdreg s6  }
0xd: {  	s16 =	sshll.u32 s7, $0x6;
	s3 =	sadd.s32 s3, s15;
	[dreg:$0xe] =	wrdreg s17  }
0xe: {  	s26 =	simm.s32 $0x15A00;
	s18 =	sadd.s32 s4, s16;
	[dreg:$0x5] =	wrdreg s3  }
0xf: {  	s1 =	ssub.s32 s1, s23;
	s19 =	sadd.s32 $0x2000, s17;
	[dreg:$0x6] =	wrdreg s18  }
0x10: {  	s5 =	sadd.s32 $0x1100, s0;
	s20 =	sadd.s32 $0x3000, s17;
	[dreg:$0x7] =	wrdreg s19  }
0x11: {  	s4 =	sadd.s32 $0x1000, s0;
	s21 =	sadd.s32 $0x4000, s17;
	[dreg:$0x8] =	wrdreg s20  }
0x12: {  	s22 =	sadd.s32 $0x5000, s17;
	s24 =	sadd.s32 $0x6000, s17;
	[dreg:$0x9] =	wrdreg s21  }
0x13: {  	s25 =	sadd.s32 $0x7000, s17;
	s6 =	smax.u32 s1, $0x1;
	[dreg:$0xa] =	wrdreg s22  }
0x14: {  	s15 =	simm.s32 $0x1;
	s17 =	simm.s32 $0x2;
	[dreg:$0xb] =	wrdreg s24  }
0x15: {  	v2 =	vlaneseq.u32;
	s0 =	simm.s32 $0x200;
	s16 =	simm.s32 $0x14A00;
	[dreg:$0xc] =	wrdreg s25  }
0x16: {  	vm0 =	vmmov $0xffff;
	v1 =	vshrl.u32 v2, $0x3;
	s18 =	simm.s32 $0x4;
	s19 =	simm.s32 $0x3;
	s20 =	simm.s32 $0x5  }
0x17: {  	v0 =	vand.u32 $0x7, v2;
	v2 =	vor.u32 $0x8, v2;
	v1 =	vmul.u32 $0x8, v1;
	s21 =	simm.s32 $0x6;
	s24 =	simm.s32 $0x10A00;
	s25 =	simm.s32 $0x15200  }
.LBB2_1:
0x18: {  	s22 =	rddreg [dreg:$0x4];
	s7 =	simm.s32 $0x7  }
0x19: {  	[tilespmem:s2], [sflag:$0x7] =	stream.linear.gather [hbm4b:s22+s2], $0x40, $0x38;
	[tilespmem:$0x18200] =	vst v63  }
0x1a: {  	_ =	swait.ge [sflag:s7], $0x40  }
0x1b: {  	[sflag:s7] =	ssyncset.done $0x0  }
0x1c: {  	[sflag:s7] =	ssyncadd.s32 $0xFFFFFFC0  }
0x1d: {  	v3 =	vld [tilespmem:$0x0];
	_ =	sdelay $0x4  }
0x1e: {  	v4 =	vshll.u32 v3, $0x2  }
0x1f: {  	v3 =	vand.u32 $0x7, v3;
	v4 =	vand.u32 $0xFFFFFFE0, v4  }
0x20: {  	v3 =	vor.u32 v3, v4  }
0x21: {  	v4 =	vperm.xlane v3, v0;
	_ =	sdelay $0x1  }
0x22: {  	v4 =	vadd.s32 v1, v4;
	_ =	sdelay $0x1  }
0x23: {  	v3 =	vperm.xlane v3, v2;
	_ =	sdelay $0x1  }
0x24: {  	v3 =	vadd.s32 v1, v3  }
0x25: {  	[tilespmem:s0], [sflag:$0x1] =	stream.indirect_vreg.gather [hbm4b:s4+s2], $0x80, v4, vm0, $0xb8;
	[tilespmem:$0x18200] =	vst v63  }
0x26: {  	s1 =	simm.s32 $0xA00  }
0x27: {  	[tilespmem:s1], [sflag:$0x1] =	stream.indirect_vreg.gather [hbm4b:s5+s2], $0x80, v4, vm0, $0xb8;
	[tilespmem:$0x18200] =	vst v63  }
0x28: {  	s23 =	simm.s32 $0x1200  }
0x29: {  	[tilespmem:s23], [sflag:$0x1] =	stream.indirect_vreg.gather [hbm4b:s4+s2], $0x80, v3, vm0, $0xb8;
	[tilespmem:$0x18200] =	vst v63  }
0x2a: {  	s3 =	simm.s32 $0x1A00  }
0x2b: {  	[tilespmem:s3], [sflag:$0x1] =	stream.indirect_vreg.gather [hbm4b:s5+s2], $0x80, v3, vm0, $0xb8;
	[tilespmem:$0x18200] =	vst v63  }
0x2c: {  	v3 =	vld [tilespmem:$0x10];
	_ =	sdelay $0x4  }
0x2d: {  	v33 =	vshll.u32 v3, $0x2  }
0x2e: {  	v3 =	vand.u32 $0x7, v3;
	v4 =	vand.u32 $0xFFFFFFE0, v33  }
0x2f: {  	v3 =	vor.u32 v3, v4  }
0x30: {  	v4 =	vperm.xlane v3, v0;
	_ =	sdelay $0x1  }
0x31: {  	v4 =	vadd.s32 v1, v4;
	_ =	sdelay $0x1  }
0x32: {  	v3 =	vperm.xlane v3, v2;
	_ =	sdelay $0x1  }
0x33: {  	s22 =	simm.s32 $0x2200;
	v3 =	vadd.s32 v1, v3  }
0x34: {  	[tilespmem:s22], [sflag:$0x1] =	stream.indirect_vreg.gather [hbm4b:s4+s2], $0x80, v4, vm0, $0xb8;
	[tilespmem:$0x18200] =	vst v63  }
0x35: {  	s23 =	simm.s32 $0x2A00  }
0x36: {  	[tilespmem:s23], [sflag:$0x1] =	stream.indirect_vreg.gather [hbm4b:s5+s2], $0x80, v4, vm0, $0xb8;
	[tilespmem:$0x18200] =	vst v63  }
0x37: {  	s3 =	simm.s32 $0x3200  }
0x38: {  	[tilespmem:s3], [sflag:$0x1] =	stream.indirect_vreg.gather [hbm4b:s4+s2], $0x80, v3, vm0, $0xb8;
	[tilespmem:$0x18200] =	vst v63  }
0x39: {  	s22 =	simm.s32 $0x3A00  }
0x3a: {  	[tilespmem:s22], [sflag:$0x1] =	stream.indirect_vreg.gather [hbm4b:s5+s2], $0x80, v3, vm0, $0xb8;
	[tilespmem:$0x18200] =	vst v63  }
0x3b: {  	v3 =	vld [tilespmem:$0x20];
	_ =	sdelay $0x4  }
0x3c: {  	v34 =	vshll.u32 v3, $0x2  }
0x3d: {  	v3 =	vand.u32 $0x7, v3;
	v4 =	vand.u32 $0xFFFFFFE0, v34  }
0x3e: {  	v3 =	vor.u32 v3, v4  }
0x3f: {  	v4 =	vperm.xlane v3, v0;
	_ =	sdelay $0x1  }
0x40: {  	v4 =	vadd.s32 v1, v4;
	_ =	sdelay $0x1  }
0x41: {  	v3 =	vperm.xlane v3, v2;
	_ =	sdelay $0x1  }
0x42: {  	s23 =	simm.s32 $0x4200;
	v3 =	vadd.s32 v1, v3  }
0x43: {  	[tilespmem:s23], [sflag:$0x1] =	stream.indirect_vreg.gather [hbm4b:s4+s2], $0x80, v4, vm0, $0xb8;
	[tilespmem:$0x18200] =	vst v63  }
0x44: {  	s3 =	simm.s32 $0x4A00  }
0x45: {  	[tilespmem:s3], [sflag:$0x1] =	stream.indirect_vreg.gather [hbm4b:s5+s2], $0x80, v4, vm0, $0xb8;
	[tilespmem:$0x18200] =	vst v63  }
0x46: {  	s22 =	simm.s32 $0x5200  }
0x47: {  	[tilespmem:s22], [sflag:$0x1] =	stream.indirect_vreg.gather [hbm4b:s4+s2], $0x80, v3, vm0, $0xb8;
	[tilespmem:$0x18200] =	vst v63  }
0x48: {  	s23 =	simm.s32 $0x5A00  }
0x49: {  	[tilespmem:s23], [sflag:$0x1] =	stream.indirect_vreg.gather [hbm4b:s5+s2], $0x80, v3, vm0, $0xb8;
	[tilespmem:$0x18200] =	vst v63  }
0x4a: {  	v3 =	vld [tilespmem:$0x30];
	_ =	sdelay $0x4  }
0x4b: {  	v35 =	vshll.u32 v3, $0x2  }
0x4c: {  	v3 =	vand.u32 $0x7, v3;
	v4 =	vand.u32 $0xFFFFFFE0, v35  }
0x4d: {  	v3 =	vor.u32 v3, v4  }
0x4e: {  	v4 =	vperm.xlane v3, v0;
	_ =	sdelay $0x1  }
0x4f: {  	v4 =	vadd.s32 v1, v4;
	_ =	sdelay $0x1  }
0x50: {  	v3 =	vperm.xlane v3, v2;
	_ =	sdelay $0x1  }
0x51: {  	s3 =	simm.s32 $0x6200;
	v3 =	vadd.s32 v1, v3  }
0x52: {  	[tilespmem:s3], [sflag:$0x1] =	stream.indirect_vreg.gather [hbm4b:s4+s2], $0x80, v4, vm0, $0xb8;
	[tilespmem:$0x18200] =	vst v63  }
0x53: {  	s22 =	simm.s32 $0x6A00  }
0x54: {  	[tilespmem:s22], [sflag:$0x1] =	stream.indirect_vreg.gather [hbm4b:s5+s2], $0x80, v4, vm0, $0xb8;
	[tilespmem:$0x18200] =	vst v63  }
0x55: {  	s23 =	simm.s32 $0x7200  }
0x56: {  	[tilespmem:s23], [sflag:$0x1] =	stream.indirect_vreg.gather [hbm4b:s4+s2], $0x80, v3, vm0, $0xb8;
	[tilespmem:$0x18200] =	vst v63  }
0x57: {  	s3 =	simm.s32 $0x7A00;
	s22 =	rddreg [dreg:$0x5]  }
0x58: {  	[tilespmem:s3], [sflag:$0x1] =	stream.indirect_vreg.gather [hbm4b:s5+s2], $0x80, v3, vm0, $0xb8;
	[tilespmem:$0x18200] =	vst v63  }
0x59: {  	s23 =	rddreg [dreg:$0xd]  }
0x5a: {  	[tilespmem:s23], [sflag:$0x7] =	stream.linear.gather [hbm4b:s22+s2], $0x1C0, $0x38;
	[tilespmem:$0x18200] =	vst v63  }
0x5b: {  	_ =	swait.ge [sflag:s7], $0x1C0  }
0x5c: {  	[sflag:s7] =	ssyncset.done $0x0  }
0x5d: {  	[sflag:s7] =	ssyncadd.s32 $0xFFFFFE40  }
0x5e: {  	v3 =	vld [tilespmem:$0x40];
	_ =	sdelay $0x4  }
0x5f: {  	v36 =	vshll.u32 v3, $0x2  }
0x60: {  	v3 =	vand.u32 $0x7, v3;
	v4 =	vand.u32 $0xFFFFFFE0, v36  }
0x61: {  	v3 =	vor.u32 v3, v4  }
0x62: {  	v4 =	vperm.xlane v3, v0;
	_ =	sdelay $0x1  }
0x63: {  	v4 =	vadd.s32 v1, v4;
	_ =	sdelay $0x1  }
0x64: {  	v3 =	vperm.xlane v3, v2;
	_ =	sdelay $0x1  }
0x65: {  	v3 =	vadd.s32 v1, v3  }
0x66: {  	[tilespmem:s14], [sflag:$0x2] =	stream.indirect_vreg.gather [hbm4b:s4+s2], $0x80, v4, vm0, $0xb8;
	[tilespmem:$0x18200] =	vst v63  }
0x67: {  	s23 =	simm.s32 $0x8A00  }
0x68: {  	[tilespmem:s23], [sflag:$0x2] =	stream.indirect_vreg.gather [hbm4b:s5+s2], $0x80, v4, vm0, $0xb8;
	[tilespmem:$0x18200] =	vst v63  }
0x69: {  	s22 =	simm.s32 $0x9200  }
0x6a: {  	[tilespmem:s22], [sflag:$0x2] =	stream.indirect_vreg.gather [hbm4b:s4+s2], $0x80, v3, vm0, $0xb8;
	[tilespmem:$0x18200] =	vst v63  }
0x6b: {  	s3 =	simm.s32 $0x9A00  }
0x6c: {  	[tilespmem:s3], [sflag:$0x2] =	stream.indirect_vreg.gather [hbm4b:s5+s2], $0x80, v3, vm0, $0xb8;
	[tilespmem:$0x18200] =	vst v63  }
0x6d: {  	v3 =	vld [tilespmem:$0x50];
	_ =	sdelay $0x4  }
0x6e: {  	v37 =	vshll.u32 v3, $0x2  }
0x6f: {  	v3 =	vand.u32 $0x7, v3;
	v4 =	vand.u32 $0xFFFFFFE0, v37  }
0x70: {  	v3 =	vor.u32 v3, v4  }
0x71: {  	v4 =	vperm.xlane v3, v0;
	_ =	sdelay $0x1  }
0x72: {  	v4 =	vadd.s32 v1, v4;
	_ =	sdelay $0x1  }
0x73: {  	v3 =	vperm.xlane v3, v2;
	_ =	sdelay $0x1  }
0x74: {  	s7 =	simm.s32 $0xA200;
	v3 =	vadd.s32 v1, v3  }
0x75: {  	[tilespmem:s7], [sflag:$0x2] =	stream.indirect_vreg.gather [hbm4b:s4+s2], $0x80, v4, vm0, $0xb8;
	[tilespmem:$0x18200] =	vst v63  }
0x76: {  	s22 =	simm.s32 $0xAA00  }
0x77: {  	[tilespmem:s22], [sflag:$0x2] =	stream.indirect_vreg.gather [hbm4b:s5+s2], $0x80, v4, vm0, $0xb8;
	[tilespmem:$0x18200] =	vst v63  }
0x78: {  	s3 =	simm.s32 $0xB200  }
0x79: {  	[tilespmem:s3], [sflag:$0x2] =	stream.indirect_vreg.gather [hbm4b:s4+s2], $0x80, v3, vm0, $0xb8;
	[tilespmem:$0x18200] =	vst v63  }
0x7a: {  	s7 =	simm.s32 $0xBA00  }
0x7b: {  	[tilespmem:s7], [sflag:$0x2] =	stream.indirect_vreg.gather [hbm4b:s5+s2], $0x80, v3, vm0, $0xb8;
	[tilespmem:$0x18200] =	vst v63  }
0x7c: {  	v3 =	vld [tilespmem:$0x60];
	_ =	sdelay $0x4  }
0x7d: {  	v38 =	vshll.u32 v3, $0x2  }
0x7e: {  	v3 =	vand.u32 $0x7, v3;
	v4 =	vand.u32 $0xFFFFFFE0, v38  }
0x7f: {  	v3 =	vor.u32 v3, v4  }
0x80: {  	v4 =	vperm.xlane v3, v0;
	_ =	sdelay $0x1  }
0x81: {  	v4 =	vadd.s32 v1, v4;
	_ =	sdelay $0x1  }
0x82: {  	v3 =	vperm.xlane v3, v2;
	_ =	sdelay $0x1  }
0x83: {  	s22 =	simm.s32 $0xC200;
	v3 =	vadd.s32 v1, v3  }
0x84: {  	[tilespmem:s22], [sflag:$0x2] =	stream.indirect_vreg.gather [hbm4b:s4+s2], $0x80, v4, vm0, $0xb8;
	[tilespmem:$0x18200] =	vst v63  }
0x85: {  	s3 =	simm.s32 $0xCA00  }
0x86: {  	[tilespmem:s3], [sflag:$0x2] =	stream.indirect_vreg.gather [hbm4b:s5+s2], $0x80, v4, vm0, $0xb8;
	[tilespmem:$0x18200] =	vst v63  }
0x87: {  	s7 =	simm.s32 $0xD200  }
0x88: {  	[tilespmem:s7], [sflag:$0x2] =	stream.indirect_vreg.gather [hbm4b:s4+s2], $0x80, v3, vm0, $0xb8;
	[tilespmem:$0x18200] =	vst v63  }
0x89: {  	s22 =	simm.s32 $0xDA00  }
0x8a: {  	[tilespmem:s22], [sflag:$0x2] =	stream.indirect_vreg.gather [hbm4b:s5+s2], $0x80, v3, vm0, $0xb8;
	[tilespmem:$0x18200] =	vst v63  }
0x8b: {  	v3 =	vld [tilespmem:$0x70];
	_ =	sdelay $0x4  }
0x8c: {  	v39 =	vshll.u32 v3, $0x2  }
0x8d: {  	v3 =	vand.u32 $0x7, v3;
	v4 =	vand.u32 $0xFFFFFFE0, v39  }
0x8e: {  	v3 =	vor.u32 v3, v4  }
0x8f: {  	v4 =	vperm.xlane v3, v0;
	_ =	sdelay $0x1  }
0x90: {  	v4 =	vadd.s32 v1, v4;
	_ =	sdelay $0x1  }
0x91: {  	v3 =	vperm.xlane v3, v2;
	_ =	sdelay $0x1  }
0x92: {  	s3 =	simm.s32 $0xE200;
	v3 =	vadd.s32 v1, v3  }
0x93: {  	[tilespmem:s3], [sflag:$0x2] =	stream.indirect_vreg.gather [hbm4b:s4+s2], $0x80, v4, vm0, $0xb8;
	[tilespmem:$0x18200] =	vst v63  }
0x94: {  	s7 =	simm.s32 $0xEA00  }
0x95: {  	[tilespmem:s7], [sflag:$0x2] =	stream.indirect_vreg.gather [hbm4b:s5+s2], $0x80, v4, vm0, $0xb8;
	[tilespmem:$0x18200] =	vst v63  }
0x96: {  	s22 =	simm.s32 $0xF200  }
0x97: {  	[tilespmem:s22], [sflag:$0x2] =	stream.indirect_vreg.gather [hbm4b:s4+s2], $0x80, v3, vm0, $0xb8;
	[tilespmem:$0x18200] =	vst v63  }
0x98: {  	s3 =	simm.s32 $0xFA00  }
0x99: {  	[tilespmem:s3], [sflag:$0x2] =	stream.indirect_vreg.gather [hbm4b:s5+s2], $0x80, v3, vm0, $0xb8;
	[tilespmem:$0x18200] =	vst v63  }
0x9a: {  	_ =	swait.ge [sflag:s15], $0x8000  }
0x9b: {  	[sflag:s15] =	ssyncset.done $0x0  }
0x9c: {  	[sflag:s15] =	ssyncadd.s32 $0xFFFF8000  }
0x9d: {  	v3 =	vld [tilespmem:$0x80];
	_ =	sdelay $0x4  }
0x9e: {  	v40 =	vshll.u32 v3, $0x2  }
0x9f: {  	v3 =	vand.u32 $0x7, v3;
	v4 =	vand.u32 $0xFFFFFFE0, v40  }
0xa0: {  	v3 =	vor.u32 v3, v4  }
0xa1: {  	v4 =	vperm.xlane v3, v0;
	_ =	sdelay $0x1  }
0xa2: {  	v4 =	vadd.s32 v1, v4;
	_ =	sdelay $0x1  }
0xa3: {  	v3 =	vperm.xlane v3, v2;
	_ =	sdelay $0x1  }
0xa4: {  	s1 =	simm.s32 $0x10200;
	v3 =	vadd.s32 v1, v3  }
0xa5: {  	[tilespmem:s1], [sflag:$0x3] =	stream.indirect_vreg.gather [hbm4b:s4+s2], $0x80, v4, vm0, $0xb8;
	[tilespmem:$0x18200] =	vst v63  }
0xa6: {  	_ = 	snop  }
0xa7: {  	[tilespmem:s24], [sflag:$0x3] =	stream.indirect_vreg.gather [hbm4b:s5+s2], $0x80, v4, vm0, $0xb8;
	[tilespmem:$0x18200] =	vst v63  }
0xa8: {  	s3 =	simm.s32 $0x11200  }
0xa9: {  	[tilespmem:s3], [sflag:$0x3] =	stream.indirect_vreg.gather [hbm4b:s4+s2], $0x80, v3, vm0, $0xb8;
	[tilespmem:$0x18200] =	vst v63  }
0xaa: {  	_ = 	snop  }
0xab: {  	[tilespmem:s8], [sflag:$0x3] =	stream.indirect_vreg.gather [hbm4b:s5+s2], $0x80, v3, vm0, $0xb8;
	[tilespmem:$0x18200] =	vst v63  }
0xac: {  	v3 =	vld [tilespmem:$0x90];
	_ =	sdelay $0x4  }
0xad: {  	v41 =	vshll.u32 v3, $0x2  }
0xae: {  	v3 =	vand.u32 $0x7, v3;
	v4 =	vand.u32 $0xFFFFFFE0, v41  }
0xaf: {  	v3 =	vor.u32 v3, v4  }
0xb0: {  	v4 =	vperm.xlane v3, v0;
	_ =	sdelay $0x1  }
0xb1: {  	v4 =	vadd.s32 v1, v4;
	_ =	sdelay $0x1  }
0xb2: {  	v3 =	vperm.xlane v3, v2;
	_ =	sdelay $0x1  }
0xb3: {  	v3 =	vadd.s32 v1, v3  }
0xb4: {  	[tilespmem:s9], [sflag:$0x3] =	stream.indirect_vreg.gather [hbm4b:s4+s2], $0x80, v4, vm0, $0xb8;
	[tilespmem:$0x18200] =	vst v63  }
0xb5: {  	_ = 	snop  }
0xb6: {  	[tilespmem:s10], [sflag:$0x3] =	stream.indirect_vreg.gather [hbm4b:s5+s2], $0x80, v4, vm0, $0xb8;
	[tilespmem:$0x18200] =	vst v63  }
0xb7: {  	_ = 	snop  }
0xb8: {  	[tilespmem:s11], [sflag:$0x3] =	stream.indirect_vreg.gather [hbm4b:s4+s2], $0x80, v3, vm0, $0xb8;
	[tilespmem:$0x18200] =	vst v63  }
0xb9: {  	_ = 	snop  }
0xba: {  	[tilespmem:s12], [sflag:$0x3] =	stream.indirect_vreg.gather [hbm4b:s5+s2], $0x80, v3, vm0, $0xb8;
	[tilespmem:$0x18200] =	vst v63  }
0xbb: {  	v3 =	vld [tilespmem:$0xA0];
	_ =	sdelay $0x4  }
0xbc: {  	v42 =	vshll.u32 v3, $0x2  }
0xbd: {  	v3 =	vand.u32 $0x7, v3;
	v4 =	vand.u32 $0xFFFFFFE0, v42  }
0xbe: {  	v3 =	vor.u32 v3, v4  }
0xbf: {  	v4 =	vperm.xlane v3, v0;
	_ =	sdelay $0x1  }
0xc0: {  	v4 =	vadd.s32 v1, v4;
	_ =	sdelay $0x1  }
0xc1: {  	v3 =	vperm.xlane v3, v2;
	_ =	sdelay $0x1  }
0xc2: {  	v3 =	vadd.s32 v1, v3  }
0xc3: {  	[tilespmem:s13], [sflag:$0x3] =	stream.indirect_vreg.gather [hbm4b:s4+s2], $0x80, v4, vm0, $0xb8;
	[tilespmem:$0x18200] =	vst v63  }
0xc4: {  	_ = 	snop  }
0xc5: {  	[tilespmem:s16], [sflag:$0x3] =	stream.indirect_vreg.gather [hbm4b:s5+s2], $0x80, v4, vm0, $0xb8;
	[tilespmem:$0x18200] =	vst v63  }
0xc6: {  	_ = 	snop  }
0xc7: {  	[tilespmem:s25], [sflag:$0x3] =	stream.indirect_vreg.gather [hbm4b:s4+s2], $0x80, v3, vm0, $0xb8;
	[tilespmem:$0x18200] =	vst v63  }
0xc8: {  	_ = 	snop  }
0xc9: {  	[tilespmem:s26], [sflag:$0x3] =	stream.indirect_vreg.gather [hbm4b:s5+s2], $0x80, v3, vm0, $0xb8;
	[tilespmem:$0x18200] =	vst v63  }
0xca: {  	v3 =	vld [tilespmem:$0xB0];
	_ =	sdelay $0x4  }
0xcb: {  	v43 =	vshll.u32 v3, $0x2  }
0xcc: {  	v3 =	vand.u32 $0x7, v3;
	v4 =	vand.u32 $0xFFFFFFE0, v43  }
0xcd: {  	v3 =	vor.u32 v3, v4  }
0xce: {  	v4 =	vperm.xlane v3, v0;
	_ =	sdelay $0x1  }
0xcf: {  	v4 =	vadd.s32 v1, v4;
	_ =	sdelay $0x1  }
0xd0: {  	v3 =	vperm.xlane v3, v2;
	_ =	sdelay $0x1  }
0xd1: {  	v3 =	vadd.s32 v1, v3  }
0xd2: {  	[tilespmem:s28], [sflag:$0x3] =	stream.indirect_vreg.gather [hbm4b:s4+s2], $0x80, v4, vm0, $0xb8;
	[tilespmem:$0x18200] =	vst v63  }
0xd3: {  	_ = 	snop  }
0xd4: {  	[tilespmem:s29], [sflag:$0x3] =	stream.indirect_vreg.gather [hbm4b:s5+s2], $0x80, v4, vm0, $0xb8;
	[tilespmem:$0x18200] =	vst v63  }
0xd5: {  	_ = 	snop  }
0xd6: {  	[tilespmem:s30], [sflag:$0x3] =	stream.indirect_vreg.gather [hbm4b:s4+s2], $0x80, v3, vm0, $0xb8;
	[tilespmem:$0x18200] =	vst v63  }
0xd7: {  	_ = 	snop  }
0xd8: {  	[tilespmem:s31], [sflag:$0x3] =	stream.indirect_vreg.gather [hbm4b:s5+s2], $0x80, v3, vm0, $0xb8;
	[tilespmem:$0x18200] =	vst v63  }
0xd9: {  	s7 =	rddreg [dreg:$0xe]  }
0xda: {  	[hbm4b:s7+s2] =	stream.linear.scatter [tilespmem:s0], [sflag:$0x4], $0x8000, $0x38;
	[tilespmem:$0x18200] =	vst v63  }
0xdb: {  	_ =	swait.ge [sflag:s17], $0x8000  }
0xdc: {  	[sflag:s17] =	ssyncset.done $0x0  }
0xdd: {  	[sflag:s17] =	ssyncadd.s32 $0xFFFF8000  }
0xde: {  	_ =	swait.ge [sflag:s18], $0x8000  }
0xdf: {  	[sflag:s18] =	ssyncset.done $0x0  }
0xe0: {  	[sflag:s18] =	ssyncadd.s32 $0xFFFF8000  }
0xe1: {  	v3 =	vld [tilespmem:$0xC0];
	_ =	sdelay $0x4  }
0xe2: {  	v44 =	vshll.u32 v3, $0x2  }
0xe3: {  	v3 =	vand.u32 $0x7, v3;
	v4 =	vand.u32 $0xFFFFFFE0, v44  }
0xe4: {  	v3 =	vor.u32 v3, v4  }
0xe5: {  	v4 =	vperm.xlane v3, v0;
	_ =	sdelay $0x1  }
0xe6: {  	v4 =	vadd.s32 v1, v4;
	_ =	sdelay $0x1  }
0xe7: {  	v3 =	vperm.xlane v3, v2;
	_ =	sdelay $0x1  }
0xe8: {  	v3 =	vadd.s32 v1, v3  }
0xe9: {  	[tilespmem:s0], [sflag:$0x1] =	stream.indirect_vreg.gather [hbm4b:s4+s2], $0x80, v4, vm0, $0xb8;
	[tilespmem:$0x18200] =	vst v63  }
0xea: {  	s7 =	simm.s32 $0xA00  }
0xeb: {  	[tilespmem:s7], [sflag:$0x1] =	stream.indirect_vreg.gather [hbm4b:s5+s2], $0x80, v4, vm0, $0xb8;
	[tilespmem:$0x18200] =	vst v63  }
0xec: {  	s7 =	simm.s32 $0x1200  }
0xed: {  	[tilespmem:s7], [sflag:$0x1] =	stream.indirect_vreg.gather [hbm4b:s4+s2], $0x80, v3, vm0, $0xb8;
	[tilespmem:$0x18200] =	vst v63  }
0xee: {  	s7 =	simm.s32 $0x1A00  }
0xef: {  	[tilespmem:s7], [sflag:$0x1] =	stream.indirect_vreg.gather [hbm4b:s5+s2], $0x80, v3, vm0, $0xb8;
	[tilespmem:$0x18200] =	vst v63  }
0xf0: {  	v3 =	vld [tilespmem:$0xD0];
	_ =	sdelay $0x4  }
0xf1: {  	v45 =	vshll.u32 v3, $0x2  }
0xf2: {  	v3 =	vand.u32 $0x7, v3;
	v4 =	vand.u32 $0xFFFFFFE0, v45  }
0xf3: {  	v3 =	vor.u32 v3, v4  }
0xf4: {  	v4 =	vperm.xlane v3, v0;
	_ =	sdelay $0x1  }
0xf5: {  	v4 =	vadd.s32 v1, v4;
	_ =	sdelay $0x1  }
0xf6: {  	v3 =	vperm.xlane v3, v2;
	_ =	sdelay $0x1  }
0xf7: {  	s7 =	simm.s32 $0x2200;
	v3 =	vadd.s32 v1, v3  }
0xf8: {  	[tilespmem:s7], [sflag:$0x1] =	stream.indirect_vreg.gather [hbm4b:s4+s2], $0x80, v4, vm0, $0xb8;
	[tilespmem:$0x18200] =	vst v63  }
0xf9: {  	s7 =	simm.s32 $0x2A00  }
0xfa: {  	[tilespmem:s7], [sflag:$0x1] =	stream.indirect_vreg.gather [hbm4b:s5+s2], $0x80, v4, vm0, $0xb8;
	[tilespmem:$0x18200] =	vst v63  }
0xfb: {  	s7 =	simm.s32 $0x3200  }
0xfc: {  	[tilespmem:s7], [sflag:$0x1] =	stream.indirect_vreg.gather [hbm4b:s4+s2], $0x80, v3, vm0, $0xb8;
	[tilespmem:$0x18200] =	vst v63  }
0xfd: {  	s7 =	simm.s32 $0x3A00  }
0xfe: {  	[tilespmem:s7], [sflag:$0x1] =	stream.indirect_vreg.gather [hbm4b:s5+s2], $0x80, v3, vm0, $0xb8;
	[tilespmem:$0x18200] =	vst v63  }
0xff: {  	v3 =	vld [tilespmem:$0xE0];
	_ =	sdelay $0x4  }
0x100: {  	v46 =	vshll.u32 v3, $0x2  }
0x101: {  	v3 =	vand.u32 $0x7, v3;
	v4 =	vand.u32 $0xFFFFFFE0, v46  }
0x102: {  	v3 =	vor.u32 v3, v4  }
0x103: {  	v4 =	vperm.xlane v3, v0;
	_ =	sdelay $0x1  }
0x104: {  	v4 =	vadd.s32 v1, v4;
	_ =	sdelay $0x1  }
0x105: {  	v3 =	vperm.xlane v3, v2;
	_ =	sdelay $0x1  }
0x106: {  	s7 =	simm.s32 $0x4200;
	v3 =	vadd.s32 v1, v3  }
0x107: {  	[tilespmem:s7], [sflag:$0x1] =	stream.indirect_vreg.gather [hbm4b:s4+s2], $0x80, v4, vm0, $0xb8;
	[tilespmem:$0x18200] =	vst v63  }
0x108: {  	s7 =	simm.s32 $0x4A00  }
0x109: {  	[tilespmem:s7], [sflag:$0x1] =	stream.indirect_vreg.gather [hbm4b:s5+s2], $0x80, v4, vm0, $0xb8;
	[tilespmem:$0x18200] =	vst v63  }
0x10a: {  	s7 =	simm.s32 $0x5200  }
0x10b: {  	[tilespmem:s7], [sflag:$0x1] =	stream.indirect_vreg.gather [hbm4b:s4+s2], $0x80, v3, vm0, $0xb8;
	[tilespmem:$0x18200] =	vst v63  }
0x10c: {  	s7 =	simm.s32 $0x5A00  }
0x10d: {  	[tilespmem:s7], [sflag:$0x1] =	stream.indirect_vreg.gather [hbm4b:s5+s2], $0x80, v3, vm0, $0xb8;
	[tilespmem:$0x18200] =	vst v63  }
0x10e: {  	v3 =	vld [tilespmem:$0xF0];
	_ =	sdelay $0x4  }
0x10f: {  	v47 =	vshll.u32 v3, $0x2  }
0x110: {  	v3 =	vand.u32 $0x7, v3;
	v4 =	vand.u32 $0xFFFFFFE0, v47  }
0x111: {  	v3 =	vor.u32 v3, v4  }
0x112: {  	v4 =	vperm.xlane v3, v0;
	_ =	sdelay $0x1  }
0x113: {  	v4 =	vadd.s32 v1, v4;
	_ =	sdelay $0x1  }
0x114: {  	v3 =	vperm.xlane v3, v2;
	_ =	sdelay $0x1  }
0x115: {  	s7 =	simm.s32 $0x6200;
	v3 =	vadd.s32 v1, v3  }
0x116: {  	[tilespmem:s7], [sflag:$0x1] =	stream.indirect_vreg.gather [hbm4b:s4+s2], $0x80, v4, vm0, $0xb8;
	[tilespmem:$0x18200] =	vst v63  }
0x117: {  	s7 =	simm.s32 $0x6A00  }
0x118: {  	[tilespmem:s7], [sflag:$0x1] =	stream.indirect_vreg.gather [hbm4b:s5+s2], $0x80, v4, vm0, $0xb8;
	[tilespmem:$0x18200] =	vst v63  }
0x119: {  	s7 =	simm.s32 $0x7200  }
0x11a: {  	[tilespmem:s7], [sflag:$0x1] =	stream.indirect_vreg.gather [hbm4b:s4+s2], $0x80, v3, vm0, $0xb8;
	[tilespmem:$0x18200] =	vst v63  }
0x11b: {  	s7 =	simm.s32 $0x7A00  }
0x11c: {  	[tilespmem:s7], [sflag:$0x1] =	stream.indirect_vreg.gather [hbm4b:s5+s2], $0x80, v3, vm0, $0xb8;
	[tilespmem:$0x18200] =	vst v63  }
0x11d: {  	s22 =	rddreg [dreg:$0x6]  }
0x11e: {  	[hbm4b:s22+s2] =	stream.linear.scatter [tilespmem:s14], [sflag:$0x5], $0x8000, $0x38;
	[tilespmem:$0x18200] =	vst v63  }
0x11f: {  	_ =	swait.ge [sflag:s19], $0x8000  }
0x120: {  	[sflag:s19] =	ssyncset.done $0x0  }
0x121: {  	[sflag:s19] =	ssyncadd.s32 $0xFFFF8000  }
0x122: {  	_ =	swait.ge [sflag:s20], $0x8000  }
0x123: {  	[sflag:s20] =	ssyncset.done $0x0  }
0x124: {  	[sflag:s20] =	ssyncadd.s32 $0xFFFF8000  }
0x125: {  	v3 =	vld [tilespmem:$0x100];
	_ =	sdelay $0x4  }
0x126: {  	v48 =	vshll.u32 v3, $0x2  }
0x127: {  	v3 =	vand.u32 $0x7, v3;
	v4 =	vand.u32 $0xFFFFFFE0, v48  }
0x128: {  	v3 =	vor.u32 v3, v4  }
0x129: {  	v4 =	vperm.xlane v3, v0;
	_ =	sdelay $0x1  }
0x12a: {  	v4 =	vadd.s32 v1, v4;
	_ =	sdelay $0x1  }
0x12b: {  	v3 =	vperm.xlane v3, v2;
	_ =	sdelay $0x1  }
0x12c: {  	v3 =	vadd.s32 v1, v3  }
0x12d: {  	[tilespmem:s14], [sflag:$0x2] =	stream.indirect_vreg.gather [hbm4b:s4+s2], $0x80, v4, vm0, $0xb8;
	[tilespmem:$0x18200] =	vst v63  }
0x12e: {  	_ = 	snop  }
0x12f: {  	[tilespmem:s23], [sflag:$0x2] =	stream.indirect_vreg.gather [hbm4b:s5+s2], $0x80, v4, vm0, $0xb8;
	[tilespmem:$0x18200] =	vst v63  }
0x130: {  	s7 =	simm.s32 $0x9200  }
0x131: {  	[tilespmem:s7], [sflag:$0x2] =	stream.indirect_vreg.gather [hbm4b:s4+s2], $0x80, v3, vm0, $0xb8;
	[tilespmem:$0x18200] =	vst v63  }
0x132: {  	s22 =	simm.s32 $0x9A00  }
0x133: {  	[tilespmem:s22], [sflag:$0x2] =	stream.indirect_vreg.gather [hbm4b:s5+s2], $0x80, v3, vm0, $0xb8;
	[tilespmem:$0x18200] =	vst v63  }
0x134: {  	v3 =	vld [tilespmem:$0x110];
	_ =	sdelay $0x4  }
0x135: {  	v49 =	vshll.u32 v3, $0x2  }
0x136: {  	v3 =	vand.u32 $0x7, v3;
	v4 =	vand.u32 $0xFFFFFFE0, v49  }
0x137: {  	v3 =	vor.u32 v3, v4  }
0x138: {  	v4 =	vperm.xlane v3, v0;
	_ =	sdelay $0x1  }
0x139: {  	v4 =	vadd.s32 v1, v4;
	_ =	sdelay $0x1  }
0x13a: {  	v3 =	vperm.xlane v3, v2;
	_ =	sdelay $0x1  }
0x13b: {  	s22 =	simm.s32 $0xA200;
	v3 =	vadd.s32 v1, v3  }
0x13c: {  	[tilespmem:s22], [sflag:$0x2] =	stream.indirect_vreg.gather [hbm4b:s4+s2], $0x80, v4, vm0, $0xb8;
	[tilespmem:$0x18200] =	vst v63  }
0x13d: {  	s22 =	simm.s32 $0xAA00  }
0x13e: {  	[tilespmem:s22], [sflag:$0x2] =	stream.indirect_vreg.gather [hbm4b:s5+s2], $0x80, v4, vm0, $0xb8;
	[tilespmem:$0x18200] =	vst v63  }
0x13f: {  	s22 =	simm.s32 $0xB200  }
0x140: {  	[tilespmem:s22], [sflag:$0x2] =	stream.indirect_vreg.gather [hbm4b:s4+s2], $0x80, v3, vm0, $0xb8;
	[tilespmem:$0x18200] =	vst v63  }
0x141: {  	s22 =	simm.s32 $0xBA00  }
0x142: {  	[tilespmem:s22], [sflag:$0x2] =	stream.indirect_vreg.gather [hbm4b:s5+s2], $0x80, v3, vm0, $0xb8;
	[tilespmem:$0x18200] =	vst v63  }
0x143: {  	v3 =	vld [tilespmem:$0x120];
	_ =	sdelay $0x4  }
0x144: {  	v50 =	vshll.u32 v3, $0x2  }
0x145: {  	v3 =	vand.u32 $0x7, v3;
	v4 =	vand.u32 $0xFFFFFFE0, v50  }
0x146: {  	v3 =	vor.u32 v3, v4  }
0x147: {  	v4 =	vperm.xlane v3, v0;
	_ =	sdelay $0x1  }
0x148: {  	v4 =	vadd.s32 v1, v4;
	_ =	sdelay $0x1  }
0x149: {  	v3 =	vperm.xlane v3, v2;
	_ =	sdelay $0x1  }
0x14a: {  	s22 =	simm.s32 $0xC200;
	v3 =	vadd.s32 v1, v3  }
0x14b: {  	[tilespmem:s22], [sflag:$0x2] =	stream.indirect_vreg.gather [hbm4b:s4+s2], $0x80, v4, vm0, $0xb8;
	[tilespmem:$0x18200] =	vst v63  }
0x14c: {  	s22 =	simm.s32 $0xCA00  }
0x14d: {  	[tilespmem:s22], [sflag:$0x2] =	stream.indirect_vreg.gather [hbm4b:s5+s2], $0x80, v4, vm0, $0xb8;
	[tilespmem:$0x18200] =	vst v63  }
0x14e: {  	s22 =	simm.s32 $0xD200  }
0x14f: {  	[tilespmem:s22], [sflag:$0x2] =	stream.indirect_vreg.gather [hbm4b:s4+s2], $0x80, v3, vm0, $0xb8;
	[tilespmem:$0x18200] =	vst v63  }
0x150: {  	s22 =	simm.s32 $0xDA00  }
0x151: {  	[tilespmem:s22], [sflag:$0x2] =	stream.indirect_vreg.gather [hbm4b:s5+s2], $0x80, v3, vm0, $0xb8;
	[tilespmem:$0x18200] =	vst v63  }
0x152: {  	v3 =	vld [tilespmem:$0x130];
	_ =	sdelay $0x4  }
0x153: {  	v51 =	vshll.u32 v3, $0x2  }
0x154: {  	v3 =	vand.u32 $0x7, v3;
	v4 =	vand.u32 $0xFFFFFFE0, v51  }
0x155: {  	v3 =	vor.u32 v3, v4  }
0x156: {  	v4 =	vperm.xlane v3, v0;
	_ =	sdelay $0x1  }
0x157: {  	v4 =	vadd.s32 v1, v4;
	_ =	sdelay $0x1  }
0x158: {  	v3 =	vperm.xlane v3, v2;
	_ =	sdelay $0x1  }
0x159: {  	s22 =	simm.s32 $0xE200;
	v3 =	vadd.s32 v1, v3  }
0x15a: {  	[tilespmem:s22], [sflag:$0x2] =	stream.indirect_vreg.gather [hbm4b:s4+s2], $0x80, v4, vm0, $0xb8;
	[tilespmem:$0x18200] =	vst v63  }
0x15b: {  	s22 =	simm.s32 $0xEA00  }
0x15c: {  	[tilespmem:s22], [sflag:$0x2] =	stream.indirect_vreg.gather [hbm4b:s5+s2], $0x80, v4, vm0, $0xb8;
	[tilespmem:$0x18200] =	vst v63  }
0x15d: {  	s22 =	simm.s32 $0xF200  }
0x15e: {  	[tilespmem:s22], [sflag:$0x2] =	stream.indirect_vreg.gather [hbm4b:s4+s2], $0x80, v3, vm0, $0xb8;
	[tilespmem:$0x18200] =	vst v63  }
0x15f: {  	s7 =	simm.s32 $0xFA00  }
0x160: {  	[tilespmem:s7], [sflag:$0x2] =	stream.indirect_vreg.gather [hbm4b:s5+s2], $0x80, v3, vm0, $0xb8;
	[tilespmem:$0x18200] =	vst v63  }
0x161: {  	s22 =	rddreg [dreg:$0x7]  }
0x162: {  	[hbm4b:s22+s2] =	stream.linear.scatter [tilespmem:s1], [sflag:$0x6], $0x8000, $0x38;
	[tilespmem:$0x18200] =	vst v63  }
0x163: {  	_ =	swait.ge [sflag:s15], $0x8000  }
0x164: {  	[sflag:s15] =	ssyncset.done $0x0  }
0x165: {  	[sflag:s15] =	ssyncadd.s32 $0xFFFF8000  }
0x166: {  	_ =	swait.ge [sflag:s21], $0x8000  }
0x167: {  	[sflag:s21] =	ssyncset.done $0x0  }
0x168: {  	[sflag:s21] =	ssyncadd.s32 $0xFFFF8000  }
0x169: {  	v3 =	vld [tilespmem:$0x140];
	_ =	sdelay $0x4  }
0x16a: {  	v52 =	vshll.u32 v3, $0x2  }
0x16b: {  	v3 =	vand.u32 $0x7, v3;
	v4 =	vand.u32 $0xFFFFFFE0, v52  }
0x16c: {  	v3 =	vor.u32 v3, v4  }
0x16d: {  	v4 =	vperm.xlane v3, v0;
	_ =	sdelay $0x1  }
0x16e: {  	v4 =	vadd.s32 v1, v4;
	_ =	sdelay $0x1  }
0x16f: {  	v3 =	vperm.xlane v3, v2;
	_ =	sdelay $0x1  }
0x170: {  	v3 =	vadd.s32 v1, v3  }
0x171: {  	[tilespmem:s1], [sflag:$0x3] =	stream.indirect_vreg.gather [hbm4b:s4+s2], $0x80, v4, vm0, $0xb8;
	[tilespmem:$0x18200] =	vst v63  }
0x172: {  	_ = 	snop  }
0x173: {  	[tilespmem:s24], [sflag:$0x3] =	stream.indirect_vreg.gather [hbm4b:s5+s2], $0x80, v4, vm0, $0xb8;
	[tilespmem:$0x18200] =	vst v63  }
0x174: {  	_ = 	snop  }
0x175: {  	[tilespmem:s3], [sflag:$0x3] =	stream.indirect_vreg.gather [hbm4b:s4+s2], $0x80, v3, vm0, $0xb8;
	[tilespmem:$0x18200] =	vst v63  }
0x176: {  	_ = 	snop  }
0x177: {  	[tilespmem:s8], [sflag:$0x3] =	stream.indirect_vreg.gather [hbm4b:s5+s2], $0x80, v3, vm0, $0xb8;
	[tilespmem:$0x18200] =	vst v63  }
0x178: {  	v3 =	vld [tilespmem:$0x150];
	_ =	sdelay $0x4  }
0x179: {  	v53 =	vshll.u32 v3, $0x2  }
0x17a: {  	v3 =	vand.u32 $0x7, v3;
	v4 =	vand.u32 $0xFFFFFFE0, v53  }
0x17b: {  	v3 =	vor.u32 v3, v4  }
0x17c: {  	v4 =	vperm.xlane v3, v0;
	_ =	sdelay $0x1  }
0x17d: {  	v4 =	vadd.s32 v1, v4;
	_ =	sdelay $0x1  }
0x17e: {  	v3 =	vperm.xlane v3, v2;
	_ =	sdelay $0x1  }
0x17f: {  	v3 =	vadd.s32 v1, v3  }
0x180: {  	[tilespmem:s9], [sflag:$0x3] =	stream.indirect_vreg.gather [hbm4b:s4+s2], $0x80, v4, vm0, $0xb8;
	[tilespmem:$0x18200] =	vst v63  }
0x181: {  	_ = 	snop  }
0x182: {  	[tilespmem:s10], [sflag:$0x3] =	stream.indirect_vreg.gather [hbm4b:s5+s2], $0x80, v4, vm0, $0xb8;
	[tilespmem:$0x18200] =	vst v63  }
0x183: {  	_ = 	snop  }
0x184: {  	[tilespmem:s11], [sflag:$0x3] =	stream.indirect_vreg.gather [hbm4b:s4+s2], $0x80, v3, vm0, $0xb8;
	[tilespmem:$0x18200] =	vst v63  }
0x185: {  	_ = 	snop  }
0x186: {  	[tilespmem:s12], [sflag:$0x3] =	stream.indirect_vreg.gather [hbm4b:s5+s2], $0x80, v3, vm0, $0xb8;
	[tilespmem:$0x18200] =	vst v63  }
0x187: {  	v3 =	vld [tilespmem:$0x160];
	_ =	sdelay $0x4  }
0x188: {  	v54 =	vshll.u32 v3, $0x2  }
0x189: {  	v3 =	vand.u32 $0x7, v3;
	v4 =	vand.u32 $0xFFFFFFE0, v54  }
0x18a: {  	v3 =	vor.u32 v3, v4  }
0x18b: {  	v4 =	vperm.xlane v3, v0;
	_ =	sdelay $0x1  }
0x18c: {  	v4 =	vadd.s32 v1, v4;
	_ =	sdelay $0x1  }
0x18d: {  	v3 =	vperm.xlane v3, v2;
	_ =	sdelay $0x1  }
0x18e: {  	v3 =	vadd.s32 v1, v3  }
0x18f: {  	[tilespmem:s13], [sflag:$0x3] =	stream.indirect_vreg.gather [hbm4b:s4+s2], $0x80, v4, vm0, $0xb8;
	[tilespmem:$0x18200] =	vst v63  }
0x190: {  	_ = 	snop  }
0x191: {  	[tilespmem:s16], [sflag:$0x3] =	stream.indirect_vreg.gather [hbm4b:s5+s2], $0x80, v4, vm0, $0xb8;
	[tilespmem:$0x18200] =	vst v63  }
0x192: {  	_ = 	snop  }
0x193: {  	[tilespmem:s25], [sflag:$0x3] =	stream.indirect_vreg.gather [hbm4b:s4+s2], $0x80, v3, vm0, $0xb8;
	[tilespmem:$0x18200] =	vst v63  }
0x194: {  	_ = 	snop  }
0x195: {  	[tilespmem:s26], [sflag:$0x3] =	stream.indirect_vreg.gather [hbm4b:s5+s2], $0x80, v3, vm0, $0xb8;
	[tilespmem:$0x18200] =	vst v63  }
0x196: {  	v3 =	vld [tilespmem:$0x170];
	_ =	sdelay $0x4  }
0x197: {  	v55 =	vshll.u32 v3, $0x2  }
0x198: {  	v3 =	vand.u32 $0x7, v3;
	v4 =	vand.u32 $0xFFFFFFE0, v55  }
0x199: {  	v3 =	vor.u32 v3, v4  }
0x19a: {  	v4 =	vperm.xlane v3, v0;
	_ =	sdelay $0x1  }
0x19b: {  	v4 =	vadd.s32 v1, v4;
	_ =	sdelay $0x1  }
0x19c: {  	v3 =	vperm.xlane v3, v2;
	_ =	sdelay $0x1  }
0x19d: {  	v3 =	vadd.s32 v1, v3  }
0x19e: {  	[tilespmem:s28], [sflag:$0x3] =	stream.indirect_vreg.gather [hbm4b:s4+s2], $0x80, v4, vm0, $0xb8;
	[tilespmem:$0x18200] =	vst v63  }
0x19f: {  	_ = 	snop  }
0x1a0: {  	[tilespmem:s29], [sflag:$0x3] =	stream.indirect_vreg.gather [hbm4b:s5+s2], $0x80, v4, vm0, $0xb8;
	[tilespmem:$0x18200] =	vst v63  }
0x1a1: {  	_ = 	snop  }
0x1a2: {  	[tilespmem:s30], [sflag:$0x3] =	stream.indirect_vreg.gather [hbm4b:s4+s2], $0x80, v3, vm0, $0xb8;
	[tilespmem:$0x18200] =	vst v63  }
0x1a3: {  	_ = 	snop  }
0x1a4: {  	[tilespmem:s31], [sflag:$0x3] =	stream.indirect_vreg.gather [hbm4b:s5+s2], $0x80, v3, vm0, $0xb8;
	[tilespmem:$0x18200] =	vst v63  }
0x1a5: {  	s3 =	rddreg [dreg:$0x8]  }
0x1a6: {  	[hbm4b:s3+s2] =	stream.linear.scatter [tilespmem:s0], [sflag:$0x4], $0x8000, $0x38;
	[tilespmem:$0x18200] =	vst v63  }
0x1a7: {  	_ =	swait.ge [sflag:s17], $0x8000  }
0x1a8: {  	[sflag:s17] =	ssyncset.done $0x0  }
0x1a9: {  	[sflag:s17] =	ssyncadd.s32 $0xFFFF8000  }
0x1aa: {  	_ =	swait.ge [sflag:s18], $0x8000  }
0x1ab: {  	[sflag:s18] =	ssyncset.done $0x0  }
0x1ac: {  	[sflag:s18] =	ssyncadd.s32 $0xFFFF8000  }
0x1ad: {  	v3 =	vld [tilespmem:$0x180];
	_ =	sdelay $0x4  }
0x1ae: {  	v56 =	vshll.u32 v3, $0x2  }
0x1af: {  	v3 =	vand.u32 $0x7, v3;
	v4 =	vand.u32 $0xFFFFFFE0, v56  }
0x1b0: {  	v3 =	vor.u32 v3, v4  }
0x1b1: {  	v4 =	vperm.xlane v3, v0;
	_ =	sdelay $0x1  }
0x1b2: {  	v4 =	vadd.s32 v1, v4;
	_ =	sdelay $0x1  }
0x1b3: {  	v3 =	vperm.xlane v3, v2;
	_ =	sdelay $0x1  }
0x1b4: {  	v3 =	vadd.s32 v1, v3  }
0x1b5: {  	[tilespmem:s0], [sflag:$0x1] =	stream.indirect_vreg.gather [hbm4b:s4+s2], $0x80, v4, vm0, $0xb8;
	[tilespmem:$0x18200] =	vst v63  }
0x1b6: {  	s22 =	simm.s32 $0xA00  }
0x1b7: {  	[tilespmem:s22], [sflag:$0x1] =	stream.indirect_vreg.gather [hbm4b:s5+s2], $0x80, v4, vm0, $0xb8;
	[tilespmem:$0x18200] =	vst v63  }
0x1b8: {  	s22 =	simm.s32 $0x1200  }
0x1b9: {  	[tilespmem:s22], [sflag:$0x1] =	stream.indirect_vreg.gather [hbm4b:s4+s2], $0x80, v3, vm0, $0xb8;
	[tilespmem:$0x18200] =	vst v63  }
0x1ba: {  	s22 =	simm.s32 $0x1A00  }
0x1bb: {  	[tilespmem:s22], [sflag:$0x1] =	stream.indirect_vreg.gather [hbm4b:s5+s2], $0x80, v3, vm0, $0xb8;
	[tilespmem:$0x18200] =	vst v63  }
0x1bc: {  	v3 =	vld [tilespmem:$0x190];
	_ =	sdelay $0x4  }
0x1bd: {  	v57 =	vshll.u32 v3, $0x2  }
0x1be: {  	v3 =	vand.u32 $0x7, v3;
	v4 =	vand.u32 $0xFFFFFFE0, v57  }
0x1bf: {  	v3 =	vor.u32 v3, v4  }
0x1c0: {  	v4 =	vperm.xlane v3, v0;
	_ =	sdelay $0x1  }
0x1c1: {  	v4 =	vadd.s32 v1, v4;
	_ =	sdelay $0x1  }
0x1c2: {  	v3 =	vperm.xlane v3, v2;
	_ =	sdelay $0x1  }
0x1c3: {  	s22 =	simm.s32 $0x2200;
	v3 =	vadd.s32 v1, v3  }
0x1c4: {  	[tilespmem:s22], [sflag:$0x1] =	stream.indirect_vreg.gather [hbm4b:s4+s2], $0x80, v4, vm0, $0xb8;
	[tilespmem:$0x18200] =	vst v63  }
0x1c5: {  	s22 =	simm.s32 $0x2A00  }
0x1c6: {  	[tilespmem:s22], [sflag:$0x1] =	stream.indirect_vreg.gather [hbm4b:s5+s2], $0x80, v4, vm0, $0xb8;
	[tilespmem:$0x18200] =	vst v63  }
0x1c7: {  	s22 =	simm.s32 $0x3200  }
0x1c8: {  	[tilespmem:s22], [sflag:$0x1] =	stream.indirect_vreg.gather [hbm4b:s4+s2], $0x80, v3, vm0, $0xb8;
	[tilespmem:$0x18200] =	vst v63  }
0x1c9: {  	s22 =	simm.s32 $0x3A00  }
0x1ca: {  	[tilespmem:s22], [sflag:$0x1] =	stream.indirect_vreg.gather [hbm4b:s5+s2], $0x80, v3, vm0, $0xb8;
	[tilespmem:$0x18200] =	vst v63  }
0x1cb: {  	v3 =	vld [tilespmem:$0x1A0];
	_ =	sdelay $0x4  }
0x1cc: {  	v58 =	vshll.u32 v3, $0x2  }
0x1cd: {  	v3 =	vand.u32 $0x7, v3;
	v4 =	vand.u32 $0xFFFFFFE0, v58  }
0x1ce: {  	v3 =	vor.u32 v3, v4  }
0x1cf: {  	v4 =	vperm.xlane v3, v0;
	_ =	sdelay $0x1  }
0x1d0: {  	v4 =	vadd.s32 v1, v4;
	_ =	sdelay $0x1  }
0x1d1: {  	v3 =	vperm.xlane v3, v2;
	_ =	sdelay $0x1  }
0x1d2: {  	s22 =	simm.s32 $0x4200;
	v3 =	vadd.s32 v1, v3  }
0x1d3: {  	[tilespmem:s22], [sflag:$0x1] =	stream.indirect_vreg.gather [hbm4b:s4+s2], $0x80, v4, vm0, $0xb8;
	[tilespmem:$0x18200] =	vst v63  }
0x1d4: {  	s22 =	simm.s32 $0x4A00  }
0x1d5: {  	[tilespmem:s22], [sflag:$0x1] =	stream.indirect_vreg.gather [hbm4b:s5+s2], $0x80, v4, vm0, $0xb8;
	[tilespmem:$0x18200] =	vst v63  }
0x1d6: {  	s22 =	simm.s32 $0x5200  }
0x1d7: {  	[tilespmem:s22], [sflag:$0x1] =	stream.indirect_vreg.gather [hbm4b:s4+s2], $0x80, v3, vm0, $0xb8;
	[tilespmem:$0x18200] =	vst v63  }
0x1d8: {  	s22 =	simm.s32 $0x5A00  }
0x1d9: {  	[tilespmem:s22], [sflag:$0x1] =	stream.indirect_vreg.gather [hbm4b:s5+s2], $0x80, v3, vm0, $0xb8;
	[tilespmem:$0x18200] =	vst v63  }
0x1da: {  	v3 =	vld [tilespmem:$0x1B0];
	_ =	sdelay $0x4  }
0x1db: {  	v59 =	vshll.u32 v3, $0x2  }
0x1dc: {  	v3 =	vand.u32 $0x7, v3;
	v4 =	vand.u32 $0xFFFFFFE0, v59  }
0x1dd: {  	v3 =	vor.u32 v3, v4  }
0x1de: {  	v4 =	vperm.xlane v3, v0;
	_ =	sdelay $0x1  }
0x1df: {  	v4 =	vadd.s32 v1, v4;
	_ =	sdelay $0x1  }
0x1e0: {  	v3 =	vperm.xlane v3, v2;
	_ =	sdelay $0x1  }
0x1e1: {  	s22 =	simm.s32 $0x6200;
	v3 =	vadd.s32 v1, v3  }
0x1e2: {  	[tilespmem:s22], [sflag:$0x1] =	stream.indirect_vreg.gather [hbm4b:s4+s2], $0x80, v4, vm0, $0xb8;
	[tilespmem:$0x18200] =	vst v63  }
0x1e3: {  	s22 =	simm.s32 $0x6A00  }
0x1e4: {  	[tilespmem:s22], [sflag:$0x1] =	stream.indirect_vreg.gather [hbm4b:s5+s2], $0x80, v4, vm0, $0xb8;
	[tilespmem:$0x18200] =	vst v63  }
0x1e5: {  	s22 =	simm.s32 $0x7200  }
0x1e6: {  	[tilespmem:s22], [sflag:$0x1] =	stream.indirect_vreg.gather [hbm4b:s4+s2], $0x80, v3, vm0, $0xb8;
	[tilespmem:$0x18200] =	vst v63  }
0x1e7: {  	s3 =	simm.s32 $0x7A00  }
0x1e8: {  	[tilespmem:s3], [sflag:$0x1] =	stream.indirect_vreg.gather [hbm4b:s5+s2], $0x80, v3, vm0, $0xb8;
	[tilespmem:$0x18200] =	vst v63  }
0x1e9: {  	s22 =	rddreg [dreg:$0x9]  }
0x1ea: {  	[hbm4b:s22+s2] =	stream.linear.scatter [tilespmem:s14], [sflag:$0x5], $0x8000, $0x38;
	[tilespmem:$0x18200] =	vst v63  }
0x1eb: {  	_ =	swait.ge [sflag:s19], $0x8000  }
0x1ec: {  	[sflag:s19] =	ssyncset.done $0x0  }
0x1ed: {  	[sflag:s19] =	ssyncadd.s32 $0xFFFF8000  }
0x1ee: {  	_ =	swait.ge [sflag:s20], $0x8000  }
0x1ef: {  	[sflag:s20] =	ssyncset.done $0x0  }
0x1f0: {  	[sflag:s20] =	ssyncadd.s32 $0xFFFF8000  }
0x1f1: {  	v3 =	vld [tilespmem:$0x1C0];
	_ =	sdelay $0x4  }
0x1f2: {  	v60 =	vshll.u32 v3, $0x2  }
0x1f3: {  	v3 =	vand.u32 $0x7, v3;
	v4 =	vand.u32 $0xFFFFFFE0, v60  }
0x1f4: {  	v3 =	vor.u32 v3, v4  }
0x1f5: {  	v4 =	vperm.xlane v3, v0;
	_ =	sdelay $0x1  }
0x1f6: {  	v4 =	vadd.s32 v1, v4;
	_ =	sdelay $0x1  }
0x1f7: {  	v3 =	vperm.xlane v3, v2;
	_ =	sdelay $0x1  }
0x1f8: {  	v3 =	vadd.s32 v1, v3  }
0x1f9: {  	[tilespmem:s14], [sflag:$0x2] =	stream.indirect_vreg.gather [hbm4b:s4+s2], $0x80, v4, vm0, $0xb8;
	[tilespmem:$0x18200] =	vst v63  }
0x1fa: {  	_ = 	snop  }
0x1fb: {  	[tilespmem:s23], [sflag:$0x2] =	stream.indirect_vreg.gather [hbm4b:s5+s2], $0x80, v4, vm0, $0xb8;
	[tilespmem:$0x18200] =	vst v63  }
0x1fc: {  	s23 =	simm.s32 $0x9200  }
0x1fd: {  	[tilespmem:s23], [sflag:$0x2] =	stream.indirect_vreg.gather [hbm4b:s4+s2], $0x80, v3, vm0, $0xb8;
	[tilespmem:$0x18200] =	vst v63  }
0x1fe: {  	s22 =	simm.s32 $0x9A00  }
0x1ff: {  	[tilespmem:s22], [sflag:$0x2] =	stream.indirect_vreg.gather [hbm4b:s5+s2], $0x80, v3, vm0, $0xb8;
	[tilespmem:$0x18200] =	vst v63  }
0x200: {  	v3 =	vld [tilespmem:$0x1D0];
	_ =	sdelay $0x4  }
0x201: {  	v61 =	vshll.u32 v3, $0x2  }
0x202: {  	v3 =	vand.u32 $0x7, v3;
	v4 =	vand.u32 $0xFFFFFFE0, v61  }
0x203: {  	v3 =	vor.u32 v3, v4  }
0x204: {  	v4 =	vperm.xlane v3, v0;
	_ =	sdelay $0x1  }
0x205: {  	v4 =	vadd.s32 v1, v4;
	_ =	sdelay $0x1  }
0x206: {  	v3 =	vperm.xlane v3, v2;
	_ =	sdelay $0x1  }
0x207: {  	s23 =	simm.s32 $0xA200;
	v3 =	vadd.s32 v1, v3  }
0x208: {  	[tilespmem:s23], [sflag:$0x2] =	stream.indirect_vreg.gather [hbm4b:s4+s2], $0x80, v4, vm0, $0xb8;
	[tilespmem:$0x18200] =	vst v63  }
0x209: {  	s22 =	simm.s32 $0xAA00  }
0x20a: {  	[tilespmem:s22], [sflag:$0x2] =	stream.indirect_vreg.gather [hbm4b:s5+s2], $0x80, v4, vm0, $0xb8;
	[tilespmem:$0x18200] =	vst v63  }
0x20b: {  	s23 =	simm.s32 $0xB200  }
0x20c: {  	[tilespmem:s23], [sflag:$0x2] =	stream.indirect_vreg.gather [hbm4b:s4+s2], $0x80, v3, vm0, $0xb8;
	[tilespmem:$0x18200] =	vst v63  }
0x20d: {  	s22 =	simm.s32 $0xBA00  }
0x20e: {  	[tilespmem:s22], [sflag:$0x2] =	stream.indirect_vreg.gather [hbm4b:s5+s2], $0x80, v3, vm0, $0xb8;
	[tilespmem:$0x18200] =	vst v63  }
0x20f: {  	v3 =	vld [tilespmem:$0x1E0];
	_ =	sdelay $0x4  }
0x210: {  	v62 =	vshll.u32 v3, $0x2  }
0x211: {  	v3 =	vand.u32 $0x7, v3;
	v4 =	vand.u32 $0xFFFFFFE0, v62  }
0x212: {  	v3 =	vor.u32 v3, v4  }
0x213: {  	v4 =	vperm.xlane v3, v0;
	_ =	sdelay $0x1  }
0x214: {  	v4 =	vadd.s32 v1, v4;
	_ =	sdelay $0x1  }
0x215: {  	v3 =	vperm.xlane v3, v2;
	_ =	sdelay $0x1  }
0x216: {  	s23 =	simm.s32 $0xC200;
	v3 =	vadd.s32 v1, v3  }
0x217: {  	[tilespmem:s23], [sflag:$0x2] =	stream.indirect_vreg.gather [hbm4b:s4+s2], $0x80, v4, vm0, $0xb8;
	[tilespmem:$0x18200] =	vst v63  }
0x218: {  	s22 =	simm.s32 $0xCA00  }
0x219: {  	[tilespmem:s22], [sflag:$0x2] =	stream.indirect_vreg.gather [hbm4b:s5+s2], $0x80, v4, vm0, $0xb8;
	[tilespmem:$0x18200] =	vst v63  }
0x21a: {  	s23 =	simm.s32 $0xD200  }
0x21b: {  	[tilespmem:s23], [sflag:$0x2] =	stream.indirect_vreg.gather [hbm4b:s4+s2], $0x80, v3, vm0, $0xb8;
	[tilespmem:$0x18200] =	vst v63  }
0x21c: {  	s22 =	simm.s32 $0xDA00  }
0x21d: {  	[tilespmem:s22], [sflag:$0x2] =	stream.indirect_vreg.gather [hbm4b:s5+s2], $0x80, v3, vm0, $0xb8;
	[tilespmem:$0x18200] =	vst v63  }
0x21e: {  	v3 =	vld [tilespmem:$0x1F0];
	_ =	sdelay $0x4  }
0x21f: {  	v63 =	vshll.u32 v3, $0x2  }
0x220: {  	v3 =	vand.u32 $0x7, v3;
	v4 =	vand.u32 $0xFFFFFFE0, v63  }
0x221: {  	v3 =	vor.u32 v3, v4  }
0x222: {  	v4 =	vperm.xlane v3, v0;
	_ =	sdelay $0x1  }
0x223: {  	v4 =	vadd.s32 v1, v4;
	_ =	sdelay $0x1  }
0x224: {  	v3 =	vperm.xlane v3, v2;
	_ =	sdelay $0x1  }
0x225: {  	s23 =	simm.s32 $0xE200;
	v3 =	vadd.s32 v1, v3  }
0x226: {  	[tilespmem:s23], [sflag:$0x2] =	stream.indirect_vreg.gather [hbm4b:s4+s2], $0x80, v4, vm0, $0xb8;
	[tilespmem:$0x18200] =	vst v63  }
0x227: {  	s22 =	simm.s32 $0xEA00  }
0x228: {  	[tilespmem:s22], [sflag:$0x2] =	stream.indirect_vreg.gather [hbm4b:s5+s2], $0x80, v4, vm0, $0xb8;
	[tilespmem:$0x18200] =	vst v63  }
0x229: {  	s23 =	simm.s32 $0xF200  }
0x22a: {  	[tilespmem:s23], [sflag:$0x2] =	stream.indirect_vreg.gather [hbm4b:s4+s2], $0x80, v3, vm0, $0xb8;
	[tilespmem:$0x18200] =	vst v63  }
0x22b: {  	s7 =	simm.s32 $0xFA00  }
0x22c: {  	[tilespmem:s7], [sflag:$0x2] =	stream.indirect_vreg.gather [hbm4b:s5+s2], $0x80, v3, vm0, $0xb8;
	[tilespmem:$0x18200] =	vst v63  }
0x22d: {  	s3 =	rddreg [dreg:$0xa]  }
0x22e: {  	[hbm4b:s3+s2] =	stream.linear.scatter [tilespmem:s1], [sflag:$0x6], $0x8000, $0x38;
	[tilespmem:$0x18200] =	vst v63  }
0x22f: {  	_ =	swait.ge [sflag:s15], $0x8000  }
0x230: {  	[sflag:s15] =	ssyncset.done $0x0  }
0x231: {  	s7 =	rddreg [dreg:$0xb];
	[sflag:s15] =	ssyncadd.s32 $0xFFFF8000  }
0x232: {  	[hbm4b:s7+s2] =	stream.linear.scatter [tilespmem:s0], [sflag:$0x4], $0x8000, $0x38;
	[tilespmem:$0x18200] =	vst v63  }
0x233: {  	_ =	swait.ge [sflag:s17], $0x8000  }
0x234: {  	[sflag:s17] =	ssyncset.done $0x0  }
0x235: {  	s23 =	rddreg [dreg:$0xc];
	[sflag:s17] =	ssyncadd.s32 $0xFFFF8000  }
0x236: {  	[hbm4b:s23+s2] =	stream.linear.scatter [tilespmem:s14], [sflag:$0x5], $0x8000, $0x38;
	[tilespmem:$0x18200] =	vst v63  }
0x237: {  	_ =	swait.ge [sflag:s21], $0x8000  }
0x238: {  	[sflag:s21] =	ssyncset.done $0x0  }
0x239: {  	[sflag:s21] =	ssyncadd.s32 $0xFFFF8000  }
0x23a: {  	p0 =	sne.s32 s6, $0x1;
	_ =	swait.ge [sflag:s18], $0x8000  }
.Ltmp0:
0x23b: {  	[sflag:s18] =	ssyncset.done $0x0;
	(pc) =	sbr.rel @p0 .LBB2_1-.Ltmp0, $4  }
0x23c: {  	[sflag:s18] =	ssyncadd.s32 $0xFFFF8000  }
0x23d: {  	_ =	swait.ge [sflag:s20], $0x8000  }
0x23e: {  	[sflag:s20] =	ssyncset.done $0x0  }
0x23f: {  	s6 =	sadd.s32 $0xFFFFFFFF, s6;
	[sflag:s20] =	ssyncadd.s32 $0xFFFF8000  }
0x240: {  	_ =	sfence.sel $0x180000  }
0x241: {  	[bflag:$0x0] =	sbarrier.arrive $0xFFFF  }
0x242: {  	_ =	strace $0x90000047  }
0x243: {  	s0 =	stileid.u32;
	[bflag:$0x2] =	sbarrier.arrive $0xFFFF  }
0x244: {  	p0 =	sne.s32 s0, $0x0;
	s0 =	rddreg [dreg:$0x3]  }
0x245: {  	s0 =	sadd.s32 @!p0 $0x100000, s0  }
0x246: {  	[sflag:s0] =	ssyncadd.tile.s32 @!p0 $0x1;
	_ =	shalt  }
.Lfunc_end2:
_tile_overlayer_lowered:
.L_overlay_start_2:
0x247: {  	(tag) =	ssettag $0x2  }
0x248: {  	s0 =	rddreg [dreg:$0x0];
	s2 =	stileid.u32  }
0x249: {  	s1 =	rddreg [dreg:$0x1];
	p0 =	sne.s32 s2, $0x0  }
0x24a: {  	s3 =	rddreg [dreg:$0x2];
	[bflag:$0x3] =	sbarrier.arrive $0xFFFF;
	s2 =	simm.s32 @!p0 $0x1C07  }
0x24b: {  	[timem:s3], [sflag:s2] =	dma.local @!p0 [hbm:s0], s1  }
0x24c: {  	s0 =	simm.s32 @!p0 $0x7  }
0x24d: {  	_ =	swait.ge @!p0 [sflag:s0], s1  }
0x24e: {  	s1 =	ssub.s32 @!p0 $0x0, s1;
	[sflag:s0] =	ssyncset.done @!p0 $0x0  }
0x24f: {  	[sflag:s0] =	ssyncadd.s32 @!p0 s1  }
0x250: {  	[bflag:$0x3] =	sbarrier.arrive $0xFFFF  }
0x251: {  	_ =	shalt  }

</sc_bundles>
